<compile_context>
chip_gen: v7x
topology: tpu7x:2x2x1
jax: 0.10.2.dev20260603
libtpu: 0.0.44.dev20260713+nightly
codegen_flags: <defaults>
</compile_context>

<pallas_src>
import functools

import jax
import jax.numpy as jnp
from jax import lax
from jax.experimental import pallas as pl
from jax.experimental.pallas import tpu as pltpu
from jax.experimental.pallas import tpu_sc as plsc

NC = 2
NS = 16
NW = NC * NS
L = 16
CHUNK = 128


@jax.jit
def kernel(t, table):
    B = t.shape[0]
    V, D = table.shape
    b_per_w = B // NW
    n_chunks = b_per_w // CHUNK

    mesh = plsc.VectorSubcoreMesh(core_axis_name="c", subcore_axis_name="s")

    @functools.partial(
        pl.kernel,
        out_type=jax.ShapeDtypeStruct((B, D), jnp.float32),
        mesh=mesh,
        scratch_types=[
            pltpu.VMEM((b_per_w,), jnp.float32),
            pltpu.VMEM((n_chunks, CHUNK), jnp.int32),
            pltpu.VMEM((b_per_w, D), jnp.float32),
            pltpu.SemaphoreType.DMA,
            pltpu.SemaphoreType.DMA,
        ],
        compiler_params=pltpu.CompilerParams(use_tc_tiling_on_sc=False),
    )
    def _emb(t_hbm, table_hbm, out_hbm, t_v, idx_v, rows_v, gsem, wsem):
        wid = lax.axis_index("s") * NC + lax.axis_index("c")
        base = wid * b_per_w

        pltpu.sync_copy(t_hbm.at[pl.ds(base, b_per_w)], t_v)

        gathers = []
        for j in range(n_chunks):
            for i in range(CHUNK // L):
                v = t_v[pl.ds(j * CHUNK + i * L, L)]
                idx_v[j, pl.ds(i * L, L)] = (v * 999.0).astype(jnp.int32)
            gathers.append(
                pltpu.async_copy(
                    table_hbm.at[idx_v.at[j]],
                    rows_v.at[pl.ds(j * CHUNK, CHUNK)],
                    gsem,
                )
            )
        writes = []
        for j in range(n_chunks):
            gathers[j].wait()
            writes.append(
                pltpu.async_copy(
                    rows_v.at[pl.ds(j * CHUNK, CHUNK)],
                    out_hbm.at[pl.ds(base + j * CHUNK, CHUNK)],
                    wsem,
                )
            )
        for w in writes:
            w.wait()

    return _emb(t, table)

# --- scband reference (transcript-rebuilt; emitter-appended) ---
"""Pipeline reference for scband-timestep-embedding-57853209477743 (READ-ONLY COPY).

The authoritative reference and input builder live on the scoring server;
editing this copy changes nothing except your own understanding.
"""

import jax, jax.numpy as jnp
import numpy as np

EMBED_DIM = 64
NUM_EMB = 1000
BATCH = 16384

def setup_inputs(seed: int = 0) -> dict:
    key = jax.random.key(seed)
    k1, k2 = jax.random.split(key)
    t = jax.random.uniform(k1, (BATCH,), dtype=jnp.float32)
    table = jax.random.normal(k2, (NUM_EMB, EMBED_DIM), dtype=jnp.float32)
    return {"t": t, "table": table}

def reference(t, table):
    # t_scaled = (t * 999).long(); embedding lookup
    t_scaled = (t * 999).astype(jnp.int32)
    return jnp.take(table, t_scaled, axis=0)

if __name__ == "__main__":
    import jax
    _d = setup_inputs()
    print(jax.jit(kernel)(*tuple(_d.values())))

</pallas_src>

<mosaic_0001>
#map = affine_map<(d0, d1) -> (0)>
#map1 = affine_map<(d0, d1) -> (0, 0)>
module attributes {stable_mosaic.version = 14 : i64} {
  func.func @_emb(%arg0: i32, %arg1: i32, %arg2: memref<16384xf32, #tpu.memory_space<hbm>>, %arg3: memref<1000x64xf32, #tpu.memory_space<hbm>>, %arg4: memref<16384x64xf32, #tpu.memory_space<hbm>>, %arg5: memref<512xf32, #tpu.memory_space<vmem>>, %arg6: memref<4x128xi32, #tpu.memory_space<vmem>>, %arg7: memref<512x64xf32, #tpu.memory_space<vmem>>, %arg8: memref<!tpu.dma_semaphore, #tpu.memory_space<semaphore_mem>>, %arg9: memref<!tpu.dma_semaphore, #tpu.memory_space<semaphore_mem>>) attributes {dimension_semantics = [#tpu.dimension_semantics<core_parallel>, #tpu.dimension_semantics<subcore_parallel>], iteration_bounds = array<i64: 2, 16>, scalar_prefetch = 0 : i64, scratch_operands = 5 : i64, tpu.core_type = #tpu.core_type<sc_vector_subcore>, window_params = [{transform_indices = #map}, {transform_indices = #map1}, {transform_indices = #map1}]} {
    %mul3A = arith.constant 2 : i32
    %mul3A_0 = arith.muli %arg1, %mul3A : i32
    %add3A = arith.addi %mul3A_0, %arg0 : i32
    %mul3A_1 = arith.constant 512 : i32
    %mul3A_2 = arith.muli %add3A, %mul3A_1 : i32
    "tpu.region"() ({
      %run_scoped3A = tpu.sem_alloc : memref<!tpu.dma_semaphore, #tpu.memory_space<semaphore_mem>>
      %dma_start3A_582 = tpu.memref_slice %arg2[%mul3A_2] : memref<16384xf32, #tpu.memory_space<hbm>> -> memref<512xf32, #tpu.memory_space<hbm>>
      %dma_start3A_583 = tpu.memref_slice %arg2[%mul3A_2] : memref<16384xf32, #tpu.memory_space<hbm>> -> memref<512xf32, #tpu.memory_space<hbm>>
      tpu.enqueue_dma source(%dma_start3A_583 : memref<512xf32, #tpu.memory_space<hbm>>) target(%arg5 : memref<512xf32, #tpu.memory_space<vmem>>) target_semaphore(%run_scoped3A : memref<!tpu.dma_semaphore, #tpu.memory_space<semaphore_mem>>)
      %dma_wait3A_584 = tpu.memref_slice %arg2[%mul3A_2] : memref<16384xf32, #tpu.memory_space<hbm>> -> memref<512xf32, #tpu.memory_space<hbm>>
      %dma_wait3A_585 = tpu.memref_slice %arg2[%mul3A_2] : memref<16384xf32, #tpu.memory_space<hbm>> -> memref<512xf32, #tpu.memory_space<hbm>>
      tpu.wait_dma2 semaphore(%run_scoped3A : memref<!tpu.dma_semaphore, #tpu.memory_space<semaphore_mem>>) src(%dma_wait3A_585 : memref<512xf32, #tpu.memory_space<hbm>>) dst(%arg5 : memref<512xf32, #tpu.memory_space<vmem>>)
      tpu.yield
    }) : () -> ()
    %get3A = arith.constant 0 : index
    %get3A_3 = tpu.vector_load %arg5[%get3A] {strides = array<i32>} : memref<512xf32, #tpu.memory_space<vmem>>, vector<16xf32>,
    %get3A_4 = vector.shape_cast %get3A_3 : vector<16xf32> to vector<16xf32>
    %mul3A_5 = arith.constant 9.990000e+02 : f32
    %mul3A_6 = vector.broadcast %mul3A_5 : f32 to vector<16xf32>
    %mul3A_7 = arith.mulf %get3A_4, %mul3A_6 : vector<16xf32>
    %convert_element_type3A = arith.fptosi %mul3A_7 : vector<16xf32> to vector<16xi32>
    %swap3A = arith.constant 0 : i32
    %swap3A_8 = arith.index_cast %swap3A : i32 to index
    %swap3A_9 = arith.constant 0 : index
    %swap3A_10 = tpu.vector_load %arg6[%swap3A_8, %swap3A_9] {strides = array<i32>} : memref<4x128xi32, #tpu.memory_space<vmem>>, vector<1x16xi32>,
    %swap3A_11 = vector.shape_cast %swap3A_10 : vector<1x16xi32> to vector<16xi32>
    %swap3A_12 = vector.shape_cast %convert_element_type3A : vector<16xi32> to vector<1x16xi32>
    tpu.vector_store %arg6[%swap3A_8, %swap3A_9], %swap3A_12 {strides = array<i32>} : memref<4x128xi32, #tpu.memory_space<vmem>>, vector<1x16xi32>,
    %get3A_13 = arith.constant 16 : index
    %get3A_14 = tpu.vector_load %arg5[%get3A_13] {strides = array<i32>} : memref<512xf32, #tpu.memory_space<vmem>>, vector<16xf32>,
    %get3A_15 = vector.shape_cast %get3A_14 : vector<16xf32> to vector<16xf32>
    %mul3A_16 = arith.constant 9.990000e+02 : f32
    %mul3A_17 = vector.broadcast %mul3A_16 : f32 to vector<16xf32>
    %mul3A_18 = arith.mulf %get3A_15, %mul3A_17 : vector<16xf32>
    %convert_element_type3A_19 = arith.fptosi %mul3A_18 : vector<16xf32> to vector<16xi32>
    %swap3A_20 = arith.constant 0 : i32
    %swap3A_21 = arith.index_cast %swap3A_20 : i32 to index
    %swap3A_22 = arith.constant 16 : index
    %swap3A_23 = tpu.vector_load %arg6[%swap3A_21, %swap3A_22] {strides = array<i32>} : memref<4x128xi32, #tpu.memory_space<vmem>>, vector<1x16xi32>,
    %swap3A_24 = vector.shape_cast %swap3A_23 : vector<1x16xi32> to vector<16xi32>
    %swap3A_25 = vector.shape_cast %convert_element_type3A_19 : vector<16xi32> to vector<1x16xi32>
    tpu.vector_store %arg6[%swap3A_21, %swap3A_22], %swap3A_25 {strides = array<i32>} : memref<4x128xi32, #tpu.memory_space<vmem>>, vector<1x16xi32>,
    %get3A_26 = arith.constant 32 : index
    %get3A_27 = tpu.vector_load %arg5[%get3A_26] {strides = array<i32>} : memref<512xf32, #tpu.memory_space<vmem>>, vector<16xf32>,
    %get3A_28 = vector.shape_cast %get3A_27 : vector<16xf32> to vector<16xf32>
    %mul3A_29 = arith.constant 9.990000e+02 : f32
    %mul3A_30 = vector.broadcast %mul3A_29 : f32 to vector<16xf32>
    %mul3A_31 = arith.mulf %get3A_28, %mul3A_30 : vector<16xf32>
    %convert_element_type3A_32 = arith.fptosi %mul3A_31 : vector<16xf32> to vector<16xi32>
    %swap3A_33 = arith.constant 0 : i32
    %swap3A_34 = arith.index_cast %swap3A_33 : i32 to index
    %swap3A_35 = arith.constant 32 : index
    %swap3A_36 = tpu.vector_load %arg6[%swap3A_34, %swap3A_35] {strides = array<i32>} : memref<4x128xi32, #tpu.memory_space<vmem>>, vector<1x16xi32>,
    %swap3A_37 = vector.shape_cast %swap3A_36 : vector<1x16xi32> to vector<16xi32>
    %swap3A_38 = vector.shape_cast %convert_element_type3A_32 : vector<16xi32> to vector<1x16xi32>
    tpu.vector_store %arg6[%swap3A_34, %swap3A_35], %swap3A_38 {strides = array<i32>} : memref<4x128xi32, #tpu.memory_space<vmem>>, vector<1x16xi32>,
    %get3A_39 = arith.constant 48 : index
    %get3A_40 = tpu.vector_load %arg5[%get3A_39] {strides = array<i32>} : memref<512xf32, #tpu.memory_space<vmem>>, vector<16xf32>,
    %get3A_41 = vector.shape_cast %get3A_40 : vector<16xf32> to vector<16xf32>
    %mul3A_42 = arith.constant 9.990000e+02 : f32
    %mul3A_43 = vector.broadcast %mul3A_42 : f32 to vector<16xf32>
    %mul3A_44 = arith.mulf %get3A_41, %mul3A_43 : vector<16xf32>
    %convert_element_type3A_45 = arith.fptosi %mul3A_44 : vector<16xf32> to vector<16xi32>
    %swap3A_46 = arith.constant 0 : i32
    %swap3A_47 = arith.index_cast %swap3A_46 : i32 to index
    %swap3A_48 = arith.constant 48 : index
    %swap3A_49 = tpu.vector_load %arg6[%swap3A_47, %swap3A_48] {strides = array<i32>} : memref<4x128xi32, #tpu.memory_space<vmem>>, vector<1x16xi32>,
    %swap3A_50 = vector.shape_cast %swap3A_49 : vector<1x16xi32> to vector<16xi32>
    %swap3A_51 = vector.shape_cast %convert_element_type3A_45 : vector<16xi32> to vector<1x16xi32>
    tpu.vector_store %arg6[%swap3A_47, %swap3A_48], %swap3A_51 {strides = array<i32>} : memref<4x128xi32, #tpu.memory_space<vmem>>, vector<1x16xi32>,
    %get3A_52 = arith.constant 64 : index
    %get3A_53 = tpu.vector_load %arg5[%get3A_52] {strides = array<i32>} : memref<512xf32, #tpu.memory_space<vmem>>, vector<16xf32>,
    %get3A_54 = vector.shape_cast %get3A_53 : vector<16xf32> to vector<16xf32>
    %mul3A_55 = arith.constant 9.990000e+02 : f32
    %mul3A_56 = vector.broadcast %mul3A_55 : f32 to vector<16xf32>
    %mul3A_57 = arith.mulf %get3A_54, %mul3A_56 : vector<16xf32>
    %convert_element_type3A_58 = arith.fptosi %mul3A_57 : vector<16xf32> to vector<16xi32>
    %swap3A_59 = arith.constant 0 : i32
    %swap3A_60 = arith.index_cast %swap3A_59 : i32 to index
    %swap3A_61 = arith.constant 64 : index
    %swap3A_62 = tpu.vector_load %arg6[%swap3A_60, %swap3A_61] {strides = array<i32>} : memref<4x128xi32, #tpu.memory_space<vmem>>, vector<1x16xi32>,
    %swap3A_63 = vector.shape_cast %swap3A_62 : vector<1x16xi32> to vector<16xi32>
    %swap3A_64 = vector.shape_cast %convert_element_type3A_58 : vector<16xi32> to vector<1x16xi32>
    tpu.vector_store %arg6[%swap3A_60, %swap3A_61], %swap3A_64 {strides = array<i32>} : memref<4x128xi32, #tpu.memory_space<vmem>>, vector<1x16xi32>,
    %get3A_65 = arith.constant 80 : index
    %get3A_66 = tpu.vector_load %arg5[%get3A_65] {strides = array<i32>} : memref<512xf32, #tpu.memory_space<vmem>>, vector<16xf32>,
    %get3A_67 = vector.shape_cast %get3A_66 : vector<16xf32> to vector<16xf32>
    %mul3A_68 = arith.constant 9.990000e+02 : f32
    %mul3A_69 = vector.broadcast %mul3A_68 : f32 to vector<16xf32>
    %mul3A_70 = arith.mulf %get3A_67, %mul3A_69 : vector<16xf32>
    %convert_element_type3A_71 = arith.fptosi %mul3A_70 : vector<16xf32> to vector<16xi32>
    %swap3A_72 = arith.constant 0 : i32
    %swap3A_73 = arith.index_cast %swap3A_72 : i32 to index
    %swap3A_74 = arith.constant 80 : index
    %swap3A_75 = tpu.vector_load %arg6[%swap3A_73, %swap3A_74] {strides = array<i32>} : memref<4x128xi32, #tpu.memory_space<vmem>>, vector<1x16xi32>,
    %swap3A_76 = vector.shape_cast %swap3A_75 : vector<1x16xi32> to vector<16xi32>
    %swap3A_77 = vector.shape_cast %convert_element_type3A_71 : vector<16xi32> to vector<1x16xi32>
    tpu.vector_store %arg6[%swap3A_73, %swap3A_74], %swap3A_77 {strides = array<i32>} : memref<4x128xi32, #tpu.memory_space<vmem>>, vector<1x16xi32>,
    %get3A_78 = arith.constant 96 : index
    %get3A_79 = tpu.vector_load %arg5[%get3A_78] {strides = array<i32>} : memref<512xf32, #tpu.memory_space<vmem>>, vector<16xf32>,
    %get3A_80 = vector.shape_cast %get3A_79 : vector<16xf32> to vector<16xf32>
    %mul3A_81 = arith.constant 9.990000e+02 : f32
    %mul3A_82 = vector.broadcast %mul3A_81 : f32 to vector<16xf32>
    %mul3A_83 = arith.mulf %get3A_80, %mul3A_82 : vector<16xf32>
    %convert_element_type3A_84 = arith.fptosi %mul3A_83 : vector<16xf32> to vector<16xi32>
    %swap3A_85 = arith.constant 0 : i32
    %swap3A_86 = arith.index_cast %swap3A_85 : i32 to index
    %swap3A_87 = arith.constant 96 : index
    %swap3A_88 = tpu.vector_load %arg6[%swap3A_86, %swap3A_87] {strides = array<i32>} : memref<4x128xi32, #tpu.memory_space<vmem>>, vector<1x16xi32>,
    %swap3A_89 = vector.shape_cast %swap3A_88 : vector<1x16xi32> to vector<16xi32>
    %swap3A_90 = vector.shape_cast %convert_element_type3A_84 : vector<16xi32> to vector<1x16xi32>
    tpu.vector_store %arg6[%swap3A_86, %swap3A_87], %swap3A_90 {strides = array<i32>} : memref<4x128xi32, #tpu.memory_space<vmem>>, vector<1x16xi32>,
    %get3A_91 = arith.constant 112 : index
    %get3A_92 = tpu.vector_load %arg5[%get3A_91] {strides = array<i32>} : memref<512xf32, #tpu.memory_space<vmem>>, vector<16xf32>,
    %get3A_93 = vector.shape_cast %get3A_92 : vector<16xf32> to vector<16xf32>
    %mul3A_94 = arith.constant 9.990000e+02 : f32
    %mul3A_95 = vector.broadcast %mul3A_94 : f32 to vector<16xf32>
    %mul3A_96 = arith.mulf %get3A_93, %mul3A_95 : vector<16xf32>
    %convert_element_type3A_97 = arith.fptosi %mul3A_96 : vector<16xf32> to vector<16xi32>
    %swap3A_98 = arith.constant 0 : i32
    %swap3A_99 = arith.index_cast %swap3A_98 : i32 to index
    %swap3A_100 = arith.constant 112 : index
    %swap3A_101 = tpu.vector_load %arg6[%swap3A_99, %swap3A_100] {strides = array<i32>} : memref<4x128xi32, #tpu.memory_space<vmem>>, vector<1x16xi32>,
    %swap3A_102 = vector.shape_cast %swap3A_101 : vector<1x16xi32> to vector<16xi32>
    %swap3A_103 = vector.shape_cast %convert_element_type3A_97 : vector<16xi32> to vector<1x16xi32>
    tpu.vector_store %arg6[%swap3A_99, %swap3A_100], %swap3A_103 {strides = array<i32>} : memref<4x128xi32, #tpu.memory_space<vmem>>, vector<1x16xi32>,
    %dma_start3A = arith.constant 0 : i32
    %dma_start3A_104 = arith.constant 0 : i32
    %dma_start3A_105 = arith.constant 0 : i32
    %dma_start3A_106 = tpu.memref_slice %arg7[%dma_start3A_104, %dma_start3A_105] : memref<512x64xf32, #tpu.memory_space<vmem>> -> memref<128x64xf32, #tpu.memory_space<vmem>>
    %dma_start3A_107 = arith.constant 0 : i32
    %dma_start3A_108 = tpu.memref_slice %arg6[%dma_start3A, %dma_start3A_107] : memref<4x128xi32, #tpu.memory_space<vmem>> -> memref<1x128xi32, #tpu.memory_space<vmem>>
    %dma_start3A_109 = tpu.memref_squeeze %dma_start3A_108 : memref<1x128xi32, #tpu.memory_space<vmem>> -> memref<128xi32, #tpu.memory_space<vmem>>
    %dma_start3A_110 = arith.constant 0 : i32
    %dma_start3A_111 = arith.constant 0 : i32
    %dma_start3A_112 = tpu.memref_slice %arg3[%dma_start3A_110, %dma_start3A_111] : memref<1000x64xf32, #tpu.memory_space<hbm>> -> memref<1000x64xf32, #tpu.memory_space<hbm>>
    tpu.enqueue_indirect_dma source(%dma_start3A_112 : memref<1000x64xf32, #tpu.memory_space<hbm>>) target(%dma_start3A_106 : memref<128x64xf32, #tpu.memory_space<vmem>>) offsets(%dma_start3A_109 : memref<128xi32, #tpu.memory_space<vmem>>) semaphore(%arg8 : memref<!tpu.dma_semaphore, #tpu.memory_space<semaphore_mem>>)
    %get3A_113 = arith.constant 128 : index
    %get3A_114 = tpu.vector_load %arg5[%get3A_113] {strides = array<i32>} : memref<512xf32, #tpu.memory_space<vmem>>, vector<16xf32>,
    %get3A_115 = vector.shape_cast %get3A_114 : vector<16xf32> to vector<16xf32>
    %mul3A_116 = arith.constant 9.990000e+02 : f32
    %mul3A_117 = vector.broadcast %mul3A_116 : f32 to vector<16xf32>
    %mul3A_118 = arith.mulf %get3A_115, %mul3A_117 : vector<16xf32>
    %convert_element_type3A_119 = arith.fptosi %mul3A_118 : vector<16xf32> to vector<16xi32>
    %swap3A_120 = arith.constant 1 : i32
    %swap3A_121 = arith.index_cast %swap3A_120 : i32 to index
    %swap3A_122 = arith.constant 0 : index
    %swap3A_123 = tpu.vector_load %arg6[%swap3A_121, %swap3A_122] {strides = array<i32>} : memref<4x128xi32, #tpu.memory_space<vmem>>, vector<1x16xi32>,
    %swap3A_124 = vector.shape_cast %swap3A_123 : vector<1x16xi32> to vector<16xi32>
    %swap3A_125 = vector.shape_cast %convert_element_type3A_119 : vector<16xi32> to vector<1x16xi32>
    tpu.vector_store %arg6[%swap3A_121, %swap3A_122], %swap3A_125 {strides = array<i32>} : memref<4x128xi32, #tpu.memory_space<vmem>>, vector<1x16xi32>,
    %get3A_126 = arith.constant 144 : index
    %get3A_127 = tpu.vector_load %arg5[%get3A_126] {strides = array<i32>} : memref<512xf32, #tpu.memory_space<vmem>>, vector<16xf32>,
    %get3A_128 = vector.shape_cast %get3A_127 : vector<16xf32> to vector<16xf32>
    %mul3A_129 = arith.constant 9.990000e+02 : f32
    %mul3A_130 = vector.broadcast %mul3A_129 : f32 to vector<16xf32>
    %mul3A_131 = arith.mulf %get3A_128, %mul3A_130 : vector<16xf32>
    %convert_element_type3A_132 = arith.fptosi %mul3A_131 : vector<16xf32> to vector<16xi32>
    %swap3A_133 = arith.constant 1 : i32
    %swap3A_134 = arith.index_cast %swap3A_133 : i32 to index
    %swap3A_135 = arith.constant 16 : index
    %swap3A_136 = tpu.vector_load %arg6[%swap3A_134, %swap3A_135] {strides = array<i32>} : memref<4x128xi32, #tpu.memory_space<vmem>>, vector<1x16xi32>,
    %swap3A_137 = vector.shape_cast %swap3A_136 : vector<1x16xi32> to vector<16xi32>
    %swap3A_138 = vector.shape_cast %convert_element_type3A_132 : vector<16xi32> to vector<1x16xi32>
    tpu.vector_store %arg6[%swap3A_134, %swap3A_135], %swap3A_138 {strides = array<i32>} : memref<4x128xi32, #tpu.memory_space<vmem>>, vector<1x16xi32>,
    %get3A_139 = arith.constant 160 : index
    %get3A_140 = tpu.vector_load %arg5[%get3A_139] {strides = array<i32>} : memref<512xf32, #tpu.memory_space<vmem>>, vector<16xf32>,
    %get3A_141 = vector.shape_cast %get3A_140 : vector<16xf32> to vector<16xf32>
    %mul3A_142 = arith.constant 9.990000e+02 : f32
    %mul3A_143 = vector.broadcast %mul3A_142 : f32 to vector<16xf32>
    %mul3A_144 = arith.mulf %get3A_141, %mul3A_143 : vector<16xf32>
    %convert_element_type3A_145 = arith.fptosi %mul3A_144 : vector<16xf32> to vector<16xi32>
    %swap3A_146 = arith.constant 1 : i32
    %swap3A_147 = arith.index_cast %swap3A_146 : i32 to index
    %swap3A_148 = arith.constant 32 : index
    %swap3A_149 = tpu.vector_load %arg6[%swap3A_147, %swap3A_148] {strides = array<i32>} : memref<4x128xi32, #tpu.memory_space<vmem>>, vector<1x16xi32>,
    %swap3A_150 = vector.shape_cast %swap3A_149 : vector<1x16xi32> to vector<16xi32>
    %swap3A_151 = vector.shape_cast %convert_element_type3A_145 : vector<16xi32> to vector<1x16xi32>
    tpu.vector_store %arg6[%swap3A_147, %swap3A_148], %swap3A_151 {strides = array<i32>} : memref<4x128xi32, #tpu.memory_space<vmem>>, vector<1x16xi32>,
    %get3A_152 = arith.constant 176 : index
    %get3A_153 = tpu.vector_load %arg5[%get3A_152] {strides = array<i32>} : memref<512xf32, #tpu.memory_space<vmem>>, vector<16xf32>,
    %get3A_154 = vector.shape_cast %get3A_153 : vector<16xf32> to vector<16xf32>
    %mul3A_155 = arith.constant 9.990000e+02 : f32
    %mul3A_156 = vector.broadcast %mul3A_155 : f32 to vector<16xf32>
    %mul3A_157 = arith.mulf %get3A_154, %mul3A_156 : vector<16xf32>
    %convert_element_type3A_158 = arith.fptosi %mul3A_157 : vector<16xf32> to vector<16xi32>
    %swap3A_159 = arith.constant 1 : i32
    %swap3A_160 = arith.index_cast %swap3A_159 : i32 to index
    %swap3A_161 = arith.constant 48 : index
    %swap3A_162 = tpu.vector_load %arg6[%swap3A_160, %swap3A_161] {strides = array<i32>} : memref<4x128xi32, #tpu.memory_space<vmem>>, vector<1x16xi32>,
    %swap3A_163 = vector.shape_cast %swap3A_162 : vector<1x16xi32> to vector<16xi32>
    %swap3A_164 = vector.shape_cast %convert_element_type3A_158 : vector<16xi32> to vector<1x16xi32>
    tpu.vector_store %arg6[%swap3A_160, %swap3A_161], %swap3A_164 {strides = array<i32>} : memref<4x128xi32, #tpu.memory_space<vmem>>, vector<1x16xi32>,
    %get3A_165 = arith.constant 192 : index
    %get3A_166 = tpu.vector_load %arg5[%get3A_165] {strides = array<i32>} : memref<512xf32, #tpu.memory_space<vmem>>, vector<16xf32>,
    %get3A_167 = vector.shape_cast %get3A_166 : vector<16xf32> to vector<16xf32>
    %mul3A_168 = arith.constant 9.990000e+02 : f32
    %mul3A_169 = vector.broadcast %mul3A_168 : f32 to vector<16xf32>
    %mul3A_170 = arith.mulf %get3A_167, %mul3A_169 : vector<16xf32>
    %convert_element_type3A_171 = arith.fptosi %mul3A_170 : vector<16xf32> to vector<16xi32>
    %swap3A_172 = arith.constant 1 : i32
    %swap3A_173 = arith.index_cast %swap3A_172 : i32 to index
    %swap3A_174 = arith.constant 64 : index
    %swap3A_175 = tpu.vector_load %arg6[%swap3A_173, %swap3A_174] {strides = array<i32>} : memref<4x128xi32, #tpu.memory_space<vmem>>, vector<1x16xi32>,
    %swap3A_176 = vector.shape_cast %swap3A_175 : vector<1x16xi32> to vector<16xi32>
    %swap3A_177 = vector.shape_cast %convert_element_type3A_171 : vector<16xi32> to vector<1x16xi32>
    tpu.vector_store %arg6[%swap3A_173, %swap3A_174], %swap3A_177 {strides = array<i32>} : memref<4x128xi32, #tpu.memory_space<vmem>>, vector<1x16xi32>,
    %get3A_178 = arith.constant 208 : index
    %get3A_179 = tpu.vector_load %arg5[%get3A_178] {strides = array<i32>} : memref<512xf32, #tpu.memory_space<vmem>>, vector<16xf32>,
    %get3A_180 = vector.shape_cast %get3A_179 : vector<16xf32> to vector<16xf32>
    %mul3A_181 = arith.constant 9.990000e+02 : f32
    %mul3A_182 = vector.broadcast %mul3A_181 : f32 to vector<16xf32>
    %mul3A_183 = arith.mulf %get3A_180, %mul3A_182 : vector<16xf32>
    %convert_element_type3A_184 = arith.fptosi %mul3A_183 : vector<16xf32> to vector<16xi32>
    %swap3A_185 = arith.constant 1 : i32
    %swap3A_186 = arith.index_cast %swap3A_185 : i32 to index
    %swap3A_187 = arith.constant 80 : index
    %swap3A_188 = tpu.vector_load %arg6[%swap3A_186, %swap3A_187] {strides = array<i32>} : memref<4x128xi32, #tpu.memory_space<vmem>>, vector<1x16xi32>,
    %swap3A_189 = vector.shape_cast %swap3A_188 : vector<1x16xi32> to vector<16xi32>
    %swap3A_190 = vector.shape_cast %convert_element_type3A_184 : vector<16xi32> to vector<1x16xi32>
    tpu.vector_store %arg6[%swap3A_186, %swap3A_187], %swap3A_190 {strides = array<i32>} : memref<4x128xi32, #tpu.memory_space<vmem>>, vector<1x16xi32>,
    %get3A_191 = arith.constant 224 : index
    %get3A_192 = tpu.vector_load %arg5[%get3A_191] {strides = array<i32>} : memref<512xf32, #tpu.memory_space<vmem>>, vector<16xf32>,
    %get3A_193 = vector.shape_cast %get3A_192 : vector<16xf32> to vector<16xf32>
    %mul3A_194 = arith.constant 9.990000e+02 : f32
    %mul3A_195 = vector.broadcast %mul3A_194 : f32 to vector<16xf32>
    %mul3A_196 = arith.mulf %get3A_193, %mul3A_195 : vector<16xf32>
    %convert_element_type3A_197 = arith.fptosi %mul3A_196 : vector<16xf32> to vector<16xi32>
    %swap3A_198 = arith.constant 1 : i32
    %swap3A_199 = arith.index_cast %swap3A_198 : i32 to index
    %swap3A_200 = arith.constant 96 : index
    %swap3A_201 = tpu.vector_load %arg6[%swap3A_199, %swap3A_200] {strides = array<i32>} : memref<4x128xi32, #tpu.memory_space<vmem>>, vector<1x16xi32>,
    %swap3A_202 = vector.shape_cast %swap3A_201 : vector<1x16xi32> to vector<16xi32>
    %swap3A_203 = vector.shape_cast %convert_element_type3A_197 : vector<16xi32> to vector<1x16xi32>
    tpu.vector_store %arg6[%swap3A_199, %swap3A_200], %swap3A_203 {strides = array<i32>} : memref<4x128xi32, #tpu.memory_space<vmem>>, vector<1x16xi32>,
    %get3A_204 = arith.constant 240 : index
    %get3A_205 = tpu.vector_load %arg5[%get3A_204] {strides = array<i32>} : memref<512xf32, #tpu.memory_space<vmem>>, vector<16xf32>,
    %get3A_206 = vector.shape_cast %get3A_205 : vector<16xf32> to vector<16xf32>
    %mul3A_207 = arith.constant 9.990000e+02 : f32
    %mul3A_208 = vector.broadcast %mul3A_207 : f32 to vector<16xf32>
    %mul3A_209 = arith.mulf %get3A_206, %mul3A_208 : vector<16xf32>
    %convert_element_type3A_210 = arith.fptosi %mul3A_209 : vector<16xf32> to vector<16xi32>
    %swap3A_211 = arith.constant 1 : i32
    %swap3A_212 = arith.index_cast %swap3A_211 : i32 to index
    %swap3A_213 = arith.constant 112 : index
    %swap3A_214 = tpu.vector_load %arg6[%swap3A_212, %swap3A_213] {strides = array<i32>} : memref<4x128xi32, #tpu.memory_space<vmem>>, vector<1x16xi32>,
    %swap3A_215 = vector.shape_cast %swap3A_214 : vector<1x16xi32> to vector<16xi32>
    %swap3A_216 = vector.shape_cast %convert_element_type3A_210 : vector<16xi32> to vector<1x16xi32>
    tpu.vector_store %arg6[%swap3A_212, %swap3A_213], %swap3A_216 {strides = array<i32>} : memref<4x128xi32, #tpu.memory_space<vmem>>, vector<1x16xi32>,
    %dma_start3A_217 = arith.constant 1 : i32
    %dma_start3A_218 = arith.constant 128 : i32
    %dma_start3A_219 = arith.constant 0 : i32
    %dma_start3A_220 = tpu.memref_slice %arg7[%dma_start3A_218, %dma_start3A_219] : memref<512x64xf32, #tpu.memory_space<vmem>> -> memref<128x64xf32, #tpu.memory_space<vmem>>
    %dma_start3A_221 = arith.constant 0 : i32
    %dma_start3A_222 = tpu.memref_slice %arg6[%dma_start3A_217, %dma_start3A_221] : memref<4x128xi32, #tpu.memory_space<vmem>> -> memref<1x128xi32, #tpu.memory_space<vmem>>
    %dma_start3A_223 = tpu.memref_squeeze %dma_start3A_222 : memref<1x128xi32, #tpu.memory_space<vmem>> -> memref<128xi32, #tpu.memory_space<vmem>>
    %dma_start3A_224 = arith.constant 0 : i32
    %dma_start3A_225 = arith.constant 0 : i32
    %dma_start3A_226 = tpu.memref_slice %arg3[%dma_start3A_224, %dma_start3A_225] : memref<1000x64xf32, #tpu.memory_space<hbm>> -> memref<1000x64xf32, #tpu.memory_space<hbm>>
    tpu.enqueue_indirect_dma source(%dma_start3A_226 : memref<1000x64xf32, #tpu.memory_space<hbm>>) target(%dma_start3A_220 : memref<128x64xf32, #tpu.memory_space<vmem>>) offsets(%dma_start3A_223 : memref<128xi32, #tpu.memory_space<vmem>>) semaphore(%arg8 : memref<!tpu.dma_semaphore, #tpu.memory_space<semaphore_mem>>)
    %get3A_227 = arith.constant 256 : index
    %get3A_228 = tpu.vector_load %arg5[%get3A_227] {strides = array<i32>} : memref<512xf32, #tpu.memory_space<vmem>>, vector<16xf32>,
    %get3A_229 = vector.shape_cast %get3A_228 : vector<16xf32> to vector<16xf32>
    %mul3A_230 = arith.constant 9.990000e+02 : f32
    %mul3A_231 = vector.broadcast %mul3A_230 : f32 to vector<16xf32>
    %mul3A_232 = arith.mulf %get3A_229, %mul3A_231 : vector<16xf32>
    %convert_element_type3A_233 = arith.fptosi %mul3A_232 : vector<16xf32> to vector<16xi32>
    %swap3A_234 = arith.constant 2 : i32
    %swap3A_235 = arith.index_cast %swap3A_234 : i32 to index
    %swap3A_236 = arith.constant 0 : index
    %swap3A_237 = tpu.vector_load %arg6[%swap3A_235, %swap3A_236] {strides = array<i32>} : memref<4x128xi32, #tpu.memory_space<vmem>>, vector<1x16xi32>,
    %swap3A_238 = vector.shape_cast %swap3A_237 : vector<1x16xi32> to vector<16xi32>
    %swap3A_239 = vector.shape_cast %convert_element_type3A_233 : vector<16xi32> to vector<1x16xi32>
    tpu.vector_store %arg6[%swap3A_235, %swap3A_236], %swap3A_239 {strides = array<i32>} : memref<4x128xi32, #tpu.memory_space<vmem>>, vector<1x16xi32>,
    %get3A_240 = arith.constant 272 : index
    %get3A_241 = tpu.vector_load %arg5[%get3A_240] {strides = array<i32>} : memref<512xf32, #tpu.memory_space<vmem>>, vector<16xf32>,
    %get3A_242 = vector.shape_cast %get3A_241 : vector<16xf32> to vector<16xf32>
    %mul3A_243 = arith.constant 9.990000e+02 : f32
    %mul3A_244 = vector.broadcast %mul3A_243 : f32 to vector<16xf32>
    %mul3A_245 = arith.mulf %get3A_242, %mul3A_244 : vector<16xf32>
    %convert_element_type3A_246 = arith.fptosi %mul3A_245 : vector<16xf32> to vector<16xi32>
    %swap3A_247 = arith.constant 2 : i32
    %swap3A_248 = arith.index_cast %swap3A_247 : i32 to index
    %swap3A_249 = arith.constant 16 : index
    %swap3A_250 = tpu.vector_load %arg6[%swap3A_248, %swap3A_249] {strides = array<i32>} : memref<4x128xi32, #tpu.memory_space<vmem>>, vector<1x16xi32>,
    %swap3A_251 = vector.shape_cast %swap3A_250 : vector<1x16xi32> to vector<16xi32>
    %swap3A_252 = vector.shape_cast %convert_element_type3A_246 : vector<16xi32> to vector<1x16xi32>
    tpu.vector_store %arg6[%swap3A_248, %swap3A_249], %swap3A_252 {strides = array<i32>} : memref<4x128xi32, #tpu.memory_space<vmem>>, vector<1x16xi32>,
    %get3A_253 = arith.constant 288 : index
    %get3A_254 = tpu.vector_load %arg5[%get3A_253] {strides = array<i32>} : memref<512xf32, #tpu.memory_space<vmem>>, vector<16xf32>,
    %get3A_255 = vector.shape_cast %get3A_254 : vector<16xf32> to vector<16xf32>
    %mul3A_256 = arith.constant 9.990000e+02 : f32
    %mul3A_257 = vector.broadcast %mul3A_256 : f32 to vector<16xf32>
    %mul3A_258 = arith.mulf %get3A_255, %mul3A_257 : vector<16xf32>
    %convert_element_type3A_259 = arith.fptosi %mul3A_258 : vector<16xf32> to vector<16xi32>
    %swap3A_260 = arith.constant 2 : i32
    %swap3A_261 = arith.index_cast %swap3A_260 : i32 to index
    %swap3A_262 = arith.constant 32 : index
    %swap3A_263 = tpu.vector_load %arg6[%swap3A_261, %swap3A_262] {strides = array<i32>} : memref<4x128xi32, #tpu.memory_space<vmem>>, vector<1x16xi32>,
    %swap3A_264 = vector.shape_cast %swap3A_263 : vector<1x16xi32> to vector<16xi32>
    %swap3A_265 = vector.shape_cast %convert_element_type3A_259 : vector<16xi32> to vector<1x16xi32>
    tpu.vector_store %arg6[%swap3A_261, %swap3A_262], %swap3A_265 {strides = array<i32>} : memref<4x128xi32, #tpu.memory_space<vmem>>, vector<1x16xi32>,
    %get3A_266 = arith.constant 304 : index
    %get3A_267 = tpu.vector_load %arg5[%get3A_266] {strides = array<i32>} : memref<512xf32, #tpu.memory_space<vmem>>, vector<16xf32>,
    %get3A_268 = vector.shape_cast %get3A_267 : vector<16xf32> to vector<16xf32>
    %mul3A_269 = arith.constant 9.990000e+02 : f32
    %mul3A_270 = vector.broadcast %mul3A_269 : f32 to vector<16xf32>
    %mul3A_271 = arith.mulf %get3A_268, %mul3A_270 : vector<16xf32>
    %convert_element_type3A_272 = arith.fptosi %mul3A_271 : vector<16xf32> to vector<16xi32>
    %swap3A_273 = arith.constant 2 : i32
    %swap3A_274 = arith.index_cast %swap3A_273 : i32 to index
    %swap3A_275 = arith.constant 48 : index
    %swap3A_276 = tpu.vector_load %arg6[%swap3A_274, %swap3A_275] {strides = array<i32>} : memref<4x128xi32, #tpu.memory_space<vmem>>, vector<1x16xi32>,
    %swap3A_277 = vector.shape_cast %swap3A_276 : vector<1x16xi32> to vector<16xi32>
    %swap3A_278 = vector.shape_cast %convert_element_type3A_272 : vector<16xi32> to vector<1x16xi32>
    tpu.vector_store %arg6[%swap3A_274, %swap3A_275], %swap3A_278 {strides = array<i32>} : memref<4x128xi32, #tpu.memory_space<vmem>>, vector<1x16xi32>,
    %get3A_279 = arith.constant 320 : index
    %get3A_280 = tpu.vector_load %arg5[%get3A_279] {strides = array<i32>} : memref<512xf32, #tpu.memory_space<vmem>>, vector<16xf32>,
    %get3A_281 = vector.shape_cast %get3A_280 : vector<16xf32> to vector<16xf32>
    %mul3A_282 = arith.constant 9.990000e+02 : f32
    %mul3A_283 = vector.broadcast %mul3A_282 : f32 to vector<16xf32>
    %mul3A_284 = arith.mulf %get3A_281, %mul3A_283 : vector<16xf32>
    %convert_element_type3A_285 = arith.fptosi %mul3A_284 : vector<16xf32> to vector<16xi32>
    %swap3A_286 = arith.constant 2 : i32
    %swap3A_287 = arith.index_cast %swap3A_286 : i32 to index
    %swap3A_288 = arith.constant 64 : index
    %swap3A_289 = tpu.vector_load %arg6[%swap3A_287, %swap3A_288] {strides = array<i32>} : memref<4x128xi32, #tpu.memory_space<vmem>>, vector<1x16xi32>,
    %swap3A_290 = vector.shape_cast %swap3A_289 : vector<1x16xi32> to vector<16xi32>
    %swap3A_291 = vector.shape_cast %convert_element_type3A_285 : vector<16xi32> to vector<1x16xi32>
    tpu.vector_store %arg6[%swap3A_287, %swap3A_288], %swap3A_291 {strides = array<i32>} : memref<4x128xi32, #tpu.memory_space<vmem>>, vector<1x16xi32>,
    %get3A_292 = arith.constant 336 : index
    %get3A_293 = tpu.vector_load %arg5[%get3A_292] {strides = array<i32>} : memref<512xf32, #tpu.memory_space<vmem>>, vector<16xf32>,
    %get3A_294 = vector.shape_cast %get3A_293 : vector<16xf32> to vector<16xf32>
    %mul3A_295 = arith.constant 9.990000e+02 : f32
    %mul3A_296 = vector.broadcast %mul3A_295 : f32 to vector<16xf32>
    %mul3A_297 = arith.mulf %get3A_294, %mul3A_296 : vector<16xf32>
    %convert_element_type3A_298 = arith.fptosi %mul3A_297 : vector<16xf32> to vector<16xi32>
    %swap3A_299 = arith.constant 2 : i32
    %swap3A_300 = arith.index_cast %swap3A_299 : i32 to index
    %swap3A_301 = arith.constant 80 : index
    %swap3A_302 = tpu.vector_load %arg6[%swap3A_300, %swap3A_301] {strides = array<i32>} : memref<4x128xi32, #tpu.memory_space<vmem>>, vector<1x16xi32>,
    %swap3A_303 = vector.shape_cast %swap3A_302 : vector<1x16xi32> to vector<16xi32>
    %swap3A_304 = vector.shape_cast %convert_element_type3A_298 : vector<16xi32> to vector<1x16xi32>
    tpu.vector_store %arg6[%swap3A_300, %swap3A_301], %swap3A_304 {strides = array<i32>} : memref<4x128xi32, #tpu.memory_space<vmem>>, vector<1x16xi32>,
    %get3A_305 = arith.constant 352 : index
    %get3A_306 = tpu.vector_load %arg5[%get3A_305] {strides = array<i32>} : memref<512xf32, #tpu.memory_space<vmem>>, vector<16xf32>,
    %get3A_307 = vector.shape_cast %get3A_306 : vector<16xf32> to vector<16xf32>
    %mul3A_308 = arith.constant 9.990000e+02 : f32
    %mul3A_309 = vector.broadcast %mul3A_308 : f32 to vector<16xf32>
    %mul3A_310 = arith.mulf %get3A_307, %mul3A_309 : vector<16xf32>
    %convert_element_type3A_311 = arith.fptosi %mul3A_310 : vector<16xf32> to vector<16xi32>
    %swap3A_312 = arith.constant 2 : i32
    %swap3A_313 = arith.index_cast %swap3A_312 : i32 to index
    %swap3A_314 = arith.constant 96 : index
    %swap3A_315 = tpu.vector_load %arg6[%swap3A_313, %swap3A_314] {strides = array<i32>} : memref<4x128xi32, #tpu.memory_space<vmem>>, vector<1x16xi32>,
    %swap3A_316 = vector.shape_cast %swap3A_315 : vector<1x16xi32> to vector<16xi32>
    %swap3A_317 = vector.shape_cast %convert_element_type3A_311 : vector<16xi32> to vector<1x16xi32>
    tpu.vector_store %arg6[%swap3A_313, %swap3A_314], %swap3A_317 {strides = array<i32>} : memref<4x128xi32, #tpu.memory_space<vmem>>, vector<1x16xi32>,
    %get3A_318 = arith.constant 368 : index
    %get3A_319 = tpu.vector_load %arg5[%get3A_318] {strides = array<i32>} : memref<512xf32, #tpu.memory_space<vmem>>, vector<16xf32>,
    %get3A_320 = vector.shape_cast %get3A_319 : vector<16xf32> to vector<16xf32>
    %mul3A_321 = arith.constant 9.990000e+02 : f32
    %mul3A_322 = vector.broadcast %mul3A_321 : f32 to vector<16xf32>
    %mul3A_323 = arith.mulf %get3A_320, %mul3A_322 : vector<16xf32>
    %convert_element_type3A_324 = arith.fptosi %mul3A_323 : vector<16xf32> to vector<16xi32>
    %swap3A_325 = arith.constant 2 : i32
    %swap3A_326 = arith.index_cast %swap3A_325 : i32 to index
    %swap3A_327 = arith.constant 112 : index
    %swap3A_328 = tpu.vector_load %arg6[%swap3A_326, %swap3A_327] {strides = array<i32>} : memref<4x128xi32, #tpu.memory_space<vmem>>, vector<1x16xi32>,
    %swap3A_329 = vector.shape_cast %swap3A_328 : vector<1x16xi32> to vector<16xi32>
    %swap3A_330 = vector.shape_cast %convert_element_type3A_324 : vector<16xi32> to vector<1x16xi32>
    tpu.vector_store %arg6[%swap3A_326, %swap3A_327], %swap3A_330 {strides = array<i32>} : memref<4x128xi32, #tpu.memory_space<vmem>>, vector<1x16xi32>,
    %dma_start3A_331 = arith.constant 2 : i32
    %dma_start3A_332 = arith.constant 256 : i32
    %dma_start3A_333 = arith.constant 0 : i32
    %dma_start3A_334 = tpu.memref_slice %arg7[%dma_start3A_332, %dma_start3A_333] : memref<512x64xf32, #tpu.memory_space<vmem>> -> memref<128x64xf32, #tpu.memory_space<vmem>>
    %dma_start3A_335 = arith.constant 0 : i32
    %dma_start3A_336 = tpu.memref_slice %arg6[%dma_start3A_331, %dma_start3A_335] : memref<4x128xi32, #tpu.memory_space<vmem>> -> memref<1x128xi32, #tpu.memory_space<vmem>>
    %dma_start3A_337 = tpu.memref_squeeze %dma_start3A_336 : memref<1x128xi32, #tpu.memory_space<vmem>> -> memref<128xi32, #tpu.memory_space<vmem>>
    %dma_start3A_338 = arith.constant 0 : i32
    %dma_start3A_339 = arith.constant 0 : i32
    %dma_start3A_340 = tpu.memref_slice %arg3[%dma_start3A_338, %dma_start3A_339] : memref<1000x64xf32, #tpu.memory_space<hbm>> -> memref<1000x64xf32, #tpu.memory_space<hbm>>
    tpu.enqueue_indirect_dma source(%dma_start3A_340 : memref<1000x64xf32, #tpu.memory_space<hbm>>) target(%dma_start3A_334 : memref<128x64xf32, #tpu.memory_space<vmem>>) offsets(%dma_start3A_337 : memref<128xi32, #tpu.memory_space<vmem>>) semaphore(%arg8 : memref<!tpu.dma_semaphore, #tpu.memory_space<semaphore_mem>>)
    %get3A_341 = arith.constant 384 : index
    %get3A_342 = tpu.vector_load %arg5[%get3A_341] {strides = array<i32>} : memref<512xf32, #tpu.memory_space<vmem>>, vector<16xf32>,
    %get3A_343 = vector.shape_cast %get3A_342 : vector<16xf32> to vector<16xf32>
    %mul3A_344 = arith.constant 9.990000e+02 : f32
    %mul3A_345 = vector.broadcast %mul3A_344 : f32 to vector<16xf32>
    %mul3A_346 = arith.mulf %get3A_343, %mul3A_345 : vector<16xf32>
    %convert_element_type3A_347 = arith.fptosi %mul3A_346 : vector<16xf32> to vector<16xi32>
    %swap3A_348 = arith.constant 3 : i32
    %swap3A_349 = arith.index_cast %swap3A_348 : i32 to index
    %swap3A_350 = arith.constant 0 : index
    %swap3A_351 = tpu.vector_load %arg6[%swap3A_349, %swap3A_350] {strides = array<i32>} : memref<4x128xi32, #tpu.memory_space<vmem>>, vector<1x16xi32>,
    %swap3A_352 = vector.shape_cast %swap3A_351 : vector<1x16xi32> to vector<16xi32>
    %swap3A_353 = vector.shape_cast %convert_element_type3A_347 : vector<16xi32> to vector<1x16xi32>
    tpu.vector_store %arg6[%swap3A_349, %swap3A_350], %swap3A_353 {strides = array<i32>} : memref<4x128xi32, #tpu.memory_space<vmem>>, vector<1x16xi32>,
    %get3A_354 = arith.constant 400 : index
    %get3A_355 = tpu.vector_load %arg5[%get3A_354] {strides = array<i32>} : memref<512xf32, #tpu.memory_space<vmem>>, vector<16xf32>,
    %get3A_356 = vector.shape_cast %get3A_355 : vector<16xf32> to vector<16xf32>
    %mul3A_357 = arith.constant 9.990000e+02 : f32
    %mul3A_358 = vector.broadcast %mul3A_357 : f32 to vector<16xf32>
    %mul3A_359 = arith.mulf %get3A_356, %mul3A_358 : vector<16xf32>
    %convert_element_type3A_360 = arith.fptosi %mul3A_359 : vector<16xf32> to vector<16xi32>
    %swap3A_361 = arith.constant 3 : i32
    %swap3A_362 = arith.index_cast %swap3A_361 : i32 to index
    %swap3A_363 = arith.constant 16 : index
    %swap3A_364 = tpu.vector_load %arg6[%swap3A_362, %swap3A_363] {strides = array<i32>} : memref<4x128xi32, #tpu.memory_space<vmem>>, vector<1x16xi32>,
    %swap3A_365 = vector.shape_cast %swap3A_364 : vector<1x16xi32> to vector<16xi32>
    %swap3A_366 = vector.shape_cast %convert_element_type3A_360 : vector<16xi32> to vector<1x16xi32>
    tpu.vector_store %arg6[%swap3A_362, %swap3A_363], %swap3A_366 {strides = array<i32>} : memref<4x128xi32, #tpu.memory_space<vmem>>, vector<1x16xi32>,
    %get3A_367 = arith.constant 416 : index
    %get3A_368 = tpu.vector_load %arg5[%get3A_367] {strides = array<i32>} : memref<512xf32, #tpu.memory_space<vmem>>, vector<16xf32>,
    %get3A_369 = vector.shape_cast %get3A_368 : vector<16xf32> to vector<16xf32>
    %mul3A_370 = arith.constant 9.990000e+02 : f32
    %mul3A_371 = vector.broadcast %mul3A_370 : f32 to vector<16xf32>
    %mul3A_372 = arith.mulf %get3A_369, %mul3A_371 : vector<16xf32>
    %convert_element_type3A_373 = arith.fptosi %mul3A_372 : vector<16xf32> to vector<16xi32>
    %swap3A_374 = arith.constant 3 : i32
    %swap3A_375 = arith.index_cast %swap3A_374 : i32 to index
    %swap3A_376 = arith.constant 32 : index
    %swap3A_377 = tpu.vector_load %arg6[%swap3A_375, %swap3A_376] {strides = array<i32>} : memref<4x128xi32, #tpu.memory_space<vmem>>, vector<1x16xi32>,
    %swap3A_378 = vector.shape_cast %swap3A_377 : vector<1x16xi32> to vector<16xi32>
    %swap3A_379 = vector.shape_cast %convert_element_type3A_373 : vector<16xi32> to vector<1x16xi32>
    tpu.vector_store %arg6[%swap3A_375, %swap3A_376], %swap3A_379 {strides = array<i32>} : memref<4x128xi32, #tpu.memory_space<vmem>>, vector<1x16xi32>,
    %get3A_380 = arith.constant 432 : index
    %get3A_381 = tpu.vector_load %arg5[%get3A_380] {strides = array<i32>} : memref<512xf32, #tpu.memory_space<vmem>>, vector<16xf32>,
    %get3A_382 = vector.shape_cast %get3A_381 : vector<16xf32> to vector<16xf32>
    %mul3A_383 = arith.constant 9.990000e+02 : f32
    %mul3A_384 = vector.broadcast %mul3A_383 : f32 to vector<16xf32>
    %mul3A_385 = arith.mulf %get3A_382, %mul3A_384 : vector<16xf32>
    %convert_element_type3A_386 = arith.fptosi %mul3A_385 : vector<16xf32> to vector<16xi32>
    %swap3A_387 = arith.constant 3 : i32
    %swap3A_388 = arith.index_cast %swap3A_387 : i32 to index
    %swap3A_389 = arith.constant 48 : index
    %swap3A_390 = tpu.vector_load %arg6[%swap3A_388, %swap3A_389] {strides = array<i32>} : memref<4x128xi32, #tpu.memory_space<vmem>>, vector<1x16xi32>,
    %swap3A_391 = vector.shape_cast %swap3A_390 : vector<1x16xi32> to vector<16xi32>
    %swap3A_392 = vector.shape_cast %convert_element_type3A_386 : vector<16xi32> to vector<1x16xi32>
    tpu.vector_store %arg6[%swap3A_388, %swap3A_389], %swap3A_392 {strides = array<i32>} : memref<4x128xi32, #tpu.memory_space<vmem>>, vector<1x16xi32>,
    %get3A_393 = arith.constant 448 : index
    %get3A_394 = tpu.vector_load %arg5[%get3A_393] {strides = array<i32>} : memref<512xf32, #tpu.memory_space<vmem>>, vector<16xf32>,
    %get3A_395 = vector.shape_cast %get3A_394 : vector<16xf32> to vector<16xf32>
    %mul3A_396 = arith.constant 9.990000e+02 : f32
    %mul3A_397 = vector.broadcast %mul3A_396 : f32 to vector<16xf32>
    %mul3A_398 = arith.mulf %get3A_395, %mul3A_397 : vector<16xf32>
    %convert_element_type3A_399 = arith.fptosi %mul3A_398 : vector<16xf32> to vector<16xi32>
    %swap3A_400 = arith.constant 3 : i32
    %swap3A_401 = arith.index_cast %swap3A_400 : i32 to index
    %swap3A_402 = arith.constant 64 : index
    %swap3A_403 = tpu.vector_load %arg6[%swap3A_401, %swap3A_402] {strides = array<i32>} : memref<4x128xi32, #tpu.memory_space<vmem>>, vector<1x16xi32>,
    %swap3A_404 = vector.shape_cast %swap3A_403 : vector<1x16xi32> to vector<16xi32>
    %swap3A_405 = vector.shape_cast %convert_element_type3A_399 : vector<16xi32> to vector<1x16xi32>
    tpu.vector_store %arg6[%swap3A_401, %swap3A_402], %swap3A_405 {strides = array<i32>} : memref<4x128xi32, #tpu.memory_space<vmem>>, vector<1x16xi32>,
    %get3A_406 = arith.constant 464 : index
    %get3A_407 = tpu.vector_load %arg5[%get3A_406] {strides = array<i32>} : memref<512xf32, #tpu.memory_space<vmem>>, vector<16xf32>,
    %get3A_408 = vector.shape_cast %get3A_407 : vector<16xf32> to vector<16xf32>
    %mul3A_409 = arith.constant 9.990000e+02 : f32
    %mul3A_410 = vector.broadcast %mul3A_409 : f32 to vector<16xf32>
    %mul3A_411 = arith.mulf %get3A_408, %mul3A_410 : vector<16xf32>
    %convert_element_type3A_412 = arith.fptosi %mul3A_411 : vector<16xf32> to vector<16xi32>
    %swap3A_413 = arith.constant 3 : i32
    %swap3A_414 = arith.index_cast %swap3A_413 : i32 to index
    %swap3A_415 = arith.constant 80 : index
    %swap3A_416 = tpu.vector_load %arg6[%swap3A_414, %swap3A_415] {strides = array<i32>} : memref<4x128xi32, #tpu.memory_space<vmem>>, vector<1x16xi32>,
    %swap3A_417 = vector.shape_cast %swap3A_416 : vector<1x16xi32> to vector<16xi32>
    %swap3A_418 = vector.shape_cast %convert_element_type3A_412 : vector<16xi32> to vector<1x16xi32>
    tpu.vector_store %arg6[%swap3A_414, %swap3A_415], %swap3A_418 {strides = array<i32>} : memref<4x128xi32, #tpu.memory_space<vmem>>, vector<1x16xi32>,
    %get3A_419 = arith.constant 480 : index
    %get3A_420 = tpu.vector_load %arg5[%get3A_419] {strides = array<i32>} : memref<512xf32, #tpu.memory_space<vmem>>, vector<16xf32>,
    %get3A_421 = vector.shape_cast %get3A_420 : vector<16xf32> to vector<16xf32>
    %mul3A_422 = arith.constant 9.990000e+02 : f32
    %mul3A_423 = vector.broadcast %mul3A_422 : f32 to vector<16xf32>
    %mul3A_424 = arith.mulf %get3A_421, %mul3A_423 : vector<16xf32>
    %convert_element_type3A_425 = arith.fptosi %mul3A_424 : vector<16xf32> to vector<16xi32>
    %swap3A_426 = arith.constant 3 : i32
    %swap3A_427 = arith.index_cast %swap3A_426 : i32 to index
    %swap3A_428 = arith.constant 96 : index
    %swap3A_429 = tpu.vector_load %arg6[%swap3A_427, %swap3A_428] {strides = array<i32>} : memref<4x128xi32, #tpu.memory_space<vmem>>, vector<1x16xi32>,
    %swap3A_430 = vector.shape_cast %swap3A_429 : vector<1x16xi32> to vector<16xi32>
    %swap3A_431 = vector.shape_cast %convert_element_type3A_425 : vector<16xi32> to vector<1x16xi32>
    tpu.vector_store %arg6[%swap3A_427, %swap3A_428], %swap3A_431 {strides = array<i32>} : memref<4x128xi32, #tpu.memory_space<vmem>>, vector<1x16xi32>,
    %get3A_432 = arith.constant 496 : index
    %get3A_433 = tpu.vector_load %arg5[%get3A_432] {strides = array<i32>} : memref<512xf32, #tpu.memory_space<vmem>>, vector<16xf32>,
    %get3A_434 = vector.shape_cast %get3A_433 : vector<16xf32> to vector<16xf32>
    %mul3A_435 = arith.constant 9.990000e+02 : f32
    %mul3A_436 = vector.broadcast %mul3A_435 : f32 to vector<16xf32>
    %mul3A_437 = arith.mulf %get3A_434, %mul3A_436 : vector<16xf32>
    %convert_element_type3A_438 = arith.fptosi %mul3A_437 : vector<16xf32> to vector<16xi32>
    %swap3A_439 = arith.constant 3 : i32
    %swap3A_440 = arith.index_cast %swap3A_439 : i32 to index
    %swap3A_441 = arith.constant 112 : index
    %swap3A_442 = tpu.vector_load %arg6[%swap3A_440, %swap3A_441] {strides = array<i32>} : memref<4x128xi32, #tpu.memory_space<vmem>>, vector<1x16xi32>,
    %swap3A_443 = vector.shape_cast %swap3A_442 : vector<1x16xi32> to vector<16xi32>
    %swap3A_444 = vector.shape_cast %convert_element_type3A_438 : vector<16xi32> to vector<1x16xi32>
    tpu.vector_store %arg6[%swap3A_440, %swap3A_441], %swap3A_444 {strides = array<i32>} : memref<4x128xi32, #tpu.memory_space<vmem>>, vector<1x16xi32>,
    %dma_start3A_445 = arith.constant 3 : i32
    %dma_start3A_446 = arith.constant 384 : i32
    %dma_start3A_447 = arith.constant 0 : i32
    %dma_start3A_448 = tpu.memref_slice %arg7[%dma_start3A_446, %dma_start3A_447] : memref<512x64xf32, #tpu.memory_space<vmem>> -> memref<128x64xf32, #tpu.memory_space<vmem>>
    %dma_start3A_449 = arith.constant 0 : i32
    %dma_start3A_450 = tpu.memref_slice %arg6[%dma_start3A_445, %dma_start3A_449] : memref<4x128xi32, #tpu.memory_space<vmem>> -> memref<1x128xi32, #tpu.memory_space<vmem>>
    %dma_start3A_451 = tpu.memref_squeeze %dma_start3A_450 : memref<1x128xi32, #tpu.memory_space<vmem>> -> memref<128xi32, #tpu.memory_space<vmem>>
    %dma_start3A_452 = arith.constant 0 : i32
    %dma_start3A_453 = arith.constant 0 : i32
    %dma_start3A_454 = tpu.memref_slice %arg3[%dma_start3A_452, %dma_start3A_453] : memref<1000x64xf32, #tpu.memory_space<hbm>> -> memref<1000x64xf32, #tpu.memory_space<hbm>>
    tpu.enqueue_indirect_dma source(%dma_start3A_454 : memref<1000x64xf32, #tpu.memory_space<hbm>>) target(%dma_start3A_448 : memref<128x64xf32, #tpu.memory_space<vmem>>) offsets(%dma_start3A_451 : memref<128xi32, #tpu.memory_space<vmem>>) semaphore(%arg8 : memref<!tpu.dma_semaphore, #tpu.memory_space<semaphore_mem>>)
    %dma_wait3A = arith.constant 0 : i32
    %dma_wait3A_455 = arith.constant 0 : i32
    %dma_wait3A_456 = arith.constant 0 : i32
    %dma_wait3A_457 = tpu.memref_slice %arg7[%dma_wait3A_455, %dma_wait3A_456] : memref<512x64xf32, #tpu.memory_space<vmem>> -> memref<128x64xf32, #tpu.memory_space<vmem>>
    %dma_wait3A_458 = arith.constant 0 : i32
    %dma_wait3A_459 = tpu.memref_slice %arg6[%dma_wait3A, %dma_wait3A_458] : memref<4x128xi32, #tpu.memory_space<vmem>> -> memref<1x128xi32, #tpu.memory_space<vmem>>
    %dma_wait3A_460 = tpu.memref_squeeze %dma_wait3A_459 : memref<1x128xi32, #tpu.memory_space<vmem>> -> memref<128xi32, #tpu.memory_space<vmem>>
    %dma_wait3A_461 = arith.constant 0 : i32
    %dma_wait3A_462 = arith.constant 0 : i32
    %dma_wait3A_463 = tpu.memref_slice %arg3[%dma_wait3A_461, %dma_wait3A_462] : memref<1000x64xf32, #tpu.memory_space<hbm>> -> memref<1000x64xf32, #tpu.memory_space<hbm>>
    tpu.wait_indirect_dma semaphore(%arg8 : memref<!tpu.dma_semaphore, #tpu.memory_space<semaphore_mem>>) src(%dma_wait3A_463 : memref<1000x64xf32, #tpu.memory_space<hbm>>) dst(%dma_wait3A_457 : memref<128x64xf32, #tpu.memory_space<vmem>>)
    %add3A_464 = arith.constant 0 : i32
    %add3A_465 = arith.addi %mul3A_2, %add3A_464 : i32
    %dma_start3A_466 = arith.constant 0 : i32
    %dma_start3A_467 = arith.constant 0 : i32
    %dma_start3A_468 = tpu.memref_slice %arg7[%dma_start3A_466, %dma_start3A_467] : memref<512x64xf32, #tpu.memory_space<vmem>> -> memref<128x64xf32, #tpu.memory_space<vmem>>
    %dma_start3A_469 = arith.constant 0 : i32
    %dma_start3A_470 = tpu.memref_slice %arg4[%add3A_465, %dma_start3A_469] : memref<16384x64xf32, #tpu.memory_space<hbm>> -> memref<128x64xf32, #tpu.memory_space<hbm>>
    %dma_start3A_471 = arith.constant 0 : i32
    %dma_start3A_472 = tpu.memref_slice %arg4[%add3A_465, %dma_start3A_471] : memref<16384x64xf32, #tpu.memory_space<hbm>> -> memref<128x64xf32, #tpu.memory_space<hbm>>
    %dma_start3A_473 = arith.constant 0 : i32
    %dma_start3A_474 = arith.constant 0 : i32
    %dma_start3A_475 = tpu.memref_slice %arg7[%dma_start3A_473, %dma_start3A_474] : memref<512x64xf32, #tpu.memory_space<vmem>> -> memref<128x64xf32, #tpu.memory_space<vmem>>
    tpu.enqueue_dma source(%dma_start3A_475 : memref<128x64xf32, #tpu.memory_space<vmem>>) target(%dma_start3A_472 : memref<128x64xf32, #tpu.memory_space<hbm>>) target_semaphore(%arg9 : memref<!tpu.dma_semaphore, #tpu.memory_space<semaphore_mem>>)
    %dma_wait3A_476 = arith.constant 1 : i32
    %dma_wait3A_477 = arith.constant 128 : i32
    %dma_wait3A_478 = arith.constant 0 : i32
    %dma_wait3A_479 = tpu.memref_slice %arg7[%dma_wait3A_477, %dma_wait3A_478] : memref<512x64xf32, #tpu.memory_space<vmem>> -> memref<128x64xf32, #tpu.memory_space<vmem>>
    %dma_wait3A_480 = arith.constant 0 : i32
    %dma_wait3A_481 = tpu.memref_slice %arg6[%dma_wait3A_476, %dma_wait3A_480] : memref<4x128xi32, #tpu.memory_space<vmem>> -> memref<1x128xi32, #tpu.memory_space<vmem>>
    %dma_wait3A_482 = tpu.memref_squeeze %dma_wait3A_481 : memref<1x128xi32, #tpu.memory_space<vmem>> -> memref<128xi32, #tpu.memory_space<vmem>>
    %dma_wait3A_483 = arith.constant 0 : i32
    %dma_wait3A_484 = arith.constant 0 : i32
    %dma_wait3A_485 = tpu.memref_slice %arg3[%dma_wait3A_483, %dma_wait3A_484] : memref<1000x64xf32, #tpu.memory_space<hbm>> -> memref<1000x64xf32, #tpu.memory_space<hbm>>
    tpu.wait_indirect_dma semaphore(%arg8 : memref<!tpu.dma_semaphore, #tpu.memory_space<semaphore_mem>>) src(%dma_wait3A_485 : memref<1000x64xf32, #tpu.memory_space<hbm>>) dst(%dma_wait3A_479 : memref<128x64xf32, #tpu.memory_space<vmem>>)
    %add3A_486 = arith.constant 128 : i32
    %add3A_487 = arith.addi %mul3A_2, %add3A_486 : i32
    %dma_start3A_488 = arith.constant 128 : i32
    %dma_start3A_489 = arith.constant 0 : i32
    %dma_start3A_490 = tpu.memref_slice %arg7[%dma_start3A_488, %dma_start3A_489] : memref<512x64xf32, #tpu.memory_space<vmem>> -> memref<128x64xf32, #tpu.memory_space<vmem>>
    %dma_start3A_491 = arith.constant 0 : i32
    %dma_start3A_492 = tpu.memref_slice %arg4[%add3A_487, %dma_start3A_491] : memref<16384x64xf32, #tpu.memory_space<hbm>> -> memref<128x64xf32, #tpu.memory_space<hbm>>
    %dma_start3A_493 = arith.constant 0 : i32
    %dma_start3A_494 = tpu.memref_slice %arg4[%add3A_487, %dma_start3A_493] : memref<16384x64xf32, #tpu.memory_space<hbm>> -> memref<128x64xf32, #tpu.memory_space<hbm>>
    %dma_start3A_495 = arith.constant 128 : i32
    %dma_start3A_496 = arith.constant 0 : i32
    %dma_start3A_497 = tpu.memref_slice %arg7[%dma_start3A_495, %dma_start3A_496] : memref<512x64xf32, #tpu.memory_space<vmem>> -> memref<128x64xf32, #tpu.memory_space<vmem>>
    tpu.enqueue_dma source(%dma_start3A_497 : memref<128x64xf32, #tpu.memory_space<vmem>>) target(%dma_start3A_494 : memref<128x64xf32, #tpu.memory_space<hbm>>) target_semaphore(%arg9 : memref<!tpu.dma_semaphore, #tpu.memory_space<semaphore_mem>>)
    %dma_wait3A_498 = arith.constant 2 : i32
    %dma_wait3A_499 = arith.constant 256 : i32
    %dma_wait3A_500 = arith.constant 0 : i32
    %dma_wait3A_501 = tpu.memref_slice %arg7[%dma_wait3A_499, %dma_wait3A_500] : memref<512x64xf32, #tpu.memory_space<vmem>> -> memref<128x64xf32, #tpu.memory_space<vmem>>
    %dma_wait3A_502 = arith.constant 0 : i32
    %dma_wait3A_503 = tpu.memref_slice %arg6[%dma_wait3A_498, %dma_wait3A_502] : memref<4x128xi32, #tpu.memory_space<vmem>> -> memref<1x128xi32, #tpu.memory_space<vmem>>
    %dma_wait3A_504 = tpu.memref_squeeze %dma_wait3A_503 : memref<1x128xi32, #tpu.memory_space<vmem>> -> memref<128xi32, #tpu.memory_space<vmem>>
    %dma_wait3A_505 = arith.constant 0 : i32
    %dma_wait3A_506 = arith.constant 0 : i32
    %dma_wait3A_507 = tpu.memref_slice %arg3[%dma_wait3A_505, %dma_wait3A_506] : memref<1000x64xf32, #tpu.memory_space<hbm>> -> memref<1000x64xf32, #tpu.memory_space<hbm>>
    tpu.wait_indirect_dma semaphore(%arg8 : memref<!tpu.dma_semaphore, #tpu.memory_space<semaphore_mem>>) src(%dma_wait3A_507 : memref<1000x64xf32, #tpu.memory_space<hbm>>) dst(%dma_wait3A_501 : memref<128x64xf32, #tpu.memory_space<vmem>>)
    %add3A_508 = arith.constant 256 : i32
    %add3A_509 = arith.addi %mul3A_2, %add3A_508 : i32
    %dma_start3A_510 = arith.constant 256 : i32
    %dma_start3A_511 = arith.constant 0 : i32
    %dma_start3A_512 = tpu.memref_slice %arg7[%dma_start3A_510, %dma_start3A_511] : memref<512x64xf32, #tpu.memory_space<vmem>> -> memref<128x64xf32, #tpu.memory_space<vmem>>
    %dma_start3A_513 = arith.constant 0 : i32
    %dma_start3A_514 = tpu.memref_slice %arg4[%add3A_509, %dma_start3A_513] : memref<16384x64xf32, #tpu.memory_space<hbm>> -> memref<128x64xf32, #tpu.memory_space<hbm>>
    %dma_start3A_515 = arith.constant 0 : i32
    %dma_start3A_516 = tpu.memref_slice %arg4[%add3A_509, %dma_start3A_515] : memref<16384x64xf32, #tpu.memory_space<hbm>> -> memref<128x64xf32, #tpu.memory_space<hbm>>
    %dma_start3A_517 = arith.constant 256 : i32
    %dma_start3A_518 = arith.constant 0 : i32
    %dma_start3A_519 = tpu.memref_slice %arg7[%dma_start3A_517, %dma_start3A_518] : memref<512x64xf32, #tpu.memory_space<vmem>> -> memref<128x64xf32, #tpu.memory_space<vmem>>
    tpu.enqueue_dma source(%dma_start3A_519 : memref<128x64xf32, #tpu.memory_space<vmem>>) target(%dma_start3A_516 : memref<128x64xf32, #tpu.memory_space<hbm>>) target_semaphore(%arg9 : memref<!tpu.dma_semaphore, #tpu.memory_space<semaphore_mem>>)
    %dma_wait3A_520 = arith.constant 3 : i32
    %dma_wait3A_521 = arith.constant 384 : i32
    %dma_wait3A_522 = arith.constant 0 : i32
    %dma_wait3A_523 = tpu.memref_slice %arg7[%dma_wait3A_521, %dma_wait3A_522] : memref<512x64xf32, #tpu.memory_space<vmem>> -> memref<128x64xf32, #tpu.memory_space<vmem>>
    %dma_wait3A_524 = arith.constant 0 : i32
    %dma_wait3A_525 = tpu.memref_slice %arg6[%dma_wait3A_520, %dma_wait3A_524] : memref<4x128xi32, #tpu.memory_space<vmem>> -> memref<1x128xi32, #tpu.memory_space<vmem>>
    %dma_wait3A_526 = tpu.memref_squeeze %dma_wait3A_525 : memref<1x128xi32, #tpu.memory_space<vmem>> -> memref<128xi32, #tpu.memory_space<vmem>>
    %dma_wait3A_527 = arith.constant 0 : i32
    %dma_wait3A_528 = arith.constant 0 : i32
    %dma_wait3A_529 = tpu.memref_slice %arg3[%dma_wait3A_527, %dma_wait3A_528] : memref<1000x64xf32, #tpu.memory_space<hbm>> -> memref<1000x64xf32, #tpu.memory_space<hbm>>
    tpu.wait_indirect_dma semaphore(%arg8 : memref<!tpu.dma_semaphore, #tpu.memory_space<semaphore_mem>>) src(%dma_wait3A_529 : memref<1000x64xf32, #tpu.memory_space<hbm>>) dst(%dma_wait3A_523 : memref<128x64xf32, #tpu.memory_space<vmem>>)
    %add3A_530 = arith.constant 384 : i32
    %add3A_531 = arith.addi %mul3A_2, %add3A_530 : i32
    %dma_start3A_532 = arith.constant 384 : i32
    %dma_start3A_533 = arith.constant 0 : i32
    %dma_start3A_534 = tpu.memref_slice %arg7[%dma_start3A_532, %dma_start3A_533] : memref<512x64xf32, #tpu.memory_space<vmem>> -> memref<128x64xf32, #tpu.memory_space<vmem>>
    %dma_start3A_535 = arith.constant 0 : i32
    %dma_start3A_536 = tpu.memref_slice %arg4[%add3A_531, %dma_start3A_535] : memref<16384x64xf32, #tpu.memory_space<hbm>> -> memref<128x64xf32, #tpu.memory_space<hbm>>
    %dma_start3A_537 = arith.constant 0 : i32
    %dma_start3A_538 = tpu.memref_slice %arg4[%add3A_531, %dma_start3A_537] : memref<16384x64xf32, #tpu.memory_space<hbm>> -> memref<128x64xf32, #tpu.memory_space<hbm>>
    %dma_start3A_539 = arith.constant 384 : i32
    %dma_start3A_540 = arith.constant 0 : i32
    %dma_start3A_541 = tpu.memref_slice %arg7[%dma_start3A_539, %dma_start3A_540] : memref<512x64xf32, #tpu.memory_space<vmem>> -> memref<128x64xf32, #tpu.memory_space<vmem>>
    tpu.enqueue_dma source(%dma_start3A_541 : memref<128x64xf32, #tpu.memory_space<vmem>>) target(%dma_start3A_538 : memref<128x64xf32, #tpu.memory_space<hbm>>) target_semaphore(%arg9 : memref<!tpu.dma_semaphore, #tpu.memory_space<semaphore_mem>>)
    %dma_wait3A_542 = arith.constant 0 : i32
    %dma_wait3A_543 = arith.constant 0 : i32
    %dma_wait3A_544 = tpu.memref_slice %arg7[%dma_wait3A_542, %dma_wait3A_543] : memref<512x64xf32, #tpu.memory_space<vmem>> -> memref<128x64xf32, #tpu.memory_space<vmem>>
    %dma_wait3A_545 = arith.constant 0 : i32
    %dma_wait3A_546 = tpu.memref_slice %arg4[%add3A_465, %dma_wait3A_545] : memref<16384x64xf32, #tpu.memory_space<hbm>> -> memref<128x64xf32, #tpu.memory_space<hbm>>
    %dma_wait3A_547 = arith.constant 0 : i32
    %dma_wait3A_548 = tpu.memref_slice %arg4[%add3A_465, %dma_wait3A_547] : memref<16384x64xf32, #tpu.memory_space<hbm>> -> memref<128x64xf32, #tpu.memory_space<hbm>>
    %dma_wait3A_549 = arith.constant 0 : i32
    %dma_wait3A_550 = arith.constant 0 : i32
    %dma_wait3A_551 = tpu.memref_slice %arg7[%dma_wait3A_549, %dma_wait3A_550] : memref<512x64xf32, #tpu.memory_space<vmem>> -> memref<128x64xf32, #tpu.memory_space<vmem>>
    tpu.wait_dma2 semaphore(%arg9 : memref<!tpu.dma_semaphore, #tpu.memory_space<semaphore_mem>>) src(%dma_wait3A_551 : memref<128x64xf32, #tpu.memory_space<vmem>>) dst(%dma_wait3A_548 : memref<128x64xf32, #tpu.memory_space<hbm>>)
    %dma_wait3A_552 = arith.constant 128 : i32
    %dma_wait3A_553 = arith.constant 0 : i32
    %dma_wait3A_554 = tpu.memref_slice %arg7[%dma_wait3A_552, %dma_wait3A_553] : memref<512x64xf32, #tpu.memory_space<vmem>> -> memref<128x64xf32, #tpu.memory_space<vmem>>
    %dma_wait3A_555 = arith.constant 0 : i32
    %dma_wait3A_556 = tpu.memref_slice %arg4[%add3A_487, %dma_wait3A_555] : memref<16384x64xf32, #tpu.memory_space<hbm>> -> memref<128x64xf32, #tpu.memory_space<hbm>>
    %dma_wait3A_557 = arith.constant 0 : i32
    %dma_wait3A_558 = tpu.memref_slice %arg4[%add3A_487, %dma_wait3A_557] : memref<16384x64xf32, #tpu.memory_space<hbm>> -> memref<128x64xf32, #tpu.memory_space<hbm>>
    %dma_wait3A_559 = arith.constant 128 : i32
    %dma_wait3A_560 = arith.constant 0 : i32
    %dma_wait3A_561 = tpu.memref_slice %arg7[%dma_wait3A_559, %dma_wait3A_560] : memref<512x64xf32, #tpu.memory_space<vmem>> -> memref<128x64xf32, #tpu.memory_space<vmem>>
    tpu.wait_dma2 semaphore(%arg9 : memref<!tpu.dma_semaphore, #tpu.memory_space<semaphore_mem>>) src(%dma_wait3A_561 : memref<128x64xf32, #tpu.memory_space<vmem>>) dst(%dma_wait3A_558 : memref<128x64xf32, #tpu.memory_space<hbm>>)
    %dma_wait3A_562 = arith.constant 256 : i32
    %dma_wait3A_563 = arith.constant 0 : i32
    %dma_wait3A_564 = tpu.memref_slice %arg7[%dma_wait3A_562, %dma_wait3A_563] : memref<512x64xf32, #tpu.memory_space<vmem>> -> memref<128x64xf32, #tpu.memory_space<vmem>>
    %dma_wait3A_565 = arith.constant 0 : i32
    %dma_wait3A_566 = tpu.memref_slice %arg4[%add3A_509, %dma_wait3A_565] : memref<16384x64xf32, #tpu.memory_space<hbm>> -> memref<128x64xf32, #tpu.memory_space<hbm>>
    %dma_wait3A_567 = arith.constant 0 : i32
    %dma_wait3A_568 = tpu.memref_slice %arg4[%add3A_509, %dma_wait3A_567] : memref<16384x64xf32, #tpu.memory_space<hbm>> -> memref<128x64xf32, #tpu.memory_space<hbm>>
    %dma_wait3A_569 = arith.constant 256 : i32
    %dma_wait3A_570 = arith.constant 0 : i32
    %dma_wait3A_571 = tpu.memref_slice %arg7[%dma_wait3A_569, %dma_wait3A_570] : memref<512x64xf32, #tpu.memory_space<vmem>> -> memref<128x64xf32, #tpu.memory_space<vmem>>
    tpu.wait_dma2 semaphore(%arg9 : memref<!tpu.dma_semaphore, #tpu.memory_space<semaphore_mem>>) src(%dma_wait3A_571 : memref<128x64xf32, #tpu.memory_space<vmem>>) dst(%dma_wait3A_568 : memref<128x64xf32, #tpu.memory_space<hbm>>)
    %dma_wait3A_572 = arith.constant 384 : i32
    %dma_wait3A_573 = arith.constant 0 : i32
    %dma_wait3A_574 = tpu.memref_slice %arg7[%dma_wait3A_572, %dma_wait3A_573] : memref<512x64xf32, #tpu.memory_space<vmem>> -> memref<128x64xf32, #tpu.memory_space<vmem>>
    %dma_wait3A_575 = arith.constant 0 : i32
    %dma_wait3A_576 = tpu.memref_slice %arg4[%add3A_531, %dma_wait3A_575] : memref<16384x64xf32, #tpu.memory_space<hbm>> -> memref<128x64xf32, #tpu.memory_space<hbm>>
    %dma_wait3A_577 = arith.constant 0 : i32
    %dma_wait3A_578 = tpu.memref_slice %arg4[%add3A_531, %dma_wait3A_577] : memref<16384x64xf32, #tpu.memory_space<hbm>> -> memref<128x64xf32, #tpu.memory_space<hbm>>
    %dma_wait3A_579 = arith.constant 384 : i32
    %dma_wait3A_580 = arith.constant 0 : i32
    %dma_wait3A_581 = tpu.memref_slice %arg7[%dma_wait3A_579, %dma_wait3A_580] : memref<512x64xf32, #tpu.memory_space<vmem>> -> memref<128x64xf32, #tpu.memory_space<vmem>>
    tpu.wait_dma2 semaphore(%arg9 : memref<!tpu.dma_semaphore, #tpu.memory_space<semaphore_mem>>) src(%dma_wait3A_581 : memref<128x64xf32, #tpu.memory_space<vmem>>) dst(%dma_wait3A_578 : memref<128x64xf32, #tpu.memory_space<hbm>>)
    return
  }
}

</mosaic_0001>

<sc_bundles>
// kernel: kernel.3.cloned.1.call-start
scs
__scs_entry_jumppad:
0x0: {  	(pc) =	sbr.rel $0x88, $3  }
0x1: {  	(tag) =	ssettag $0x0;
	lr =	simm.s32 $0x1  }
0x2: {  	[smem:$0x3F9F] =	sst lr;
	_ =	strace $0xD0000000  }
0x3: {  	_ = 	snop  }
0x4: {  	_ = 	snop  }
0x5: {  	_ = 	snop  }
0x6: {  	_ = 	snop  }
0x7: {  	_ = 	snop  }
__scs_overlays_trampoline_lowered:
0x8: {  	[smem:$0x3FAE] =	sst s0  }
0x9: {  	[smem:$0x3FAF] =	sst s1  }
0xa: {  	[smem:$0x3FB0] =	sst s2  }
0xb: {  	[smem:$0x3FB1] =	sst s3  }
0xc: {  	[smem:$0x3FB2] =	sst s4  }
0xd: {  	[smem:$0x3FB3] =	sst s5  }
0xe: {  	[smem:$0x3FB4] =	sst s6  }
0xf: {  	[smem:$0x3FB5] =	sst s7  }
0x10: {  	[smem:$0x3FB6] =	sst s8  }
0x11: {  	[smem:$0x3FB7] =	sst s9;
	s0 =	simm.s32 @!p0 $0x0  }
0x12: {  	s1 =	sld [smem:$0x3F9D];
	s0 =	simm.s32 @p0 $0x1  }
0x13: {  	[smem:$0x3FB8] =	sst s0;
	s0 =	simm.s32 @!p1 $0x0  }
0x14: {  	s2 =	sld [smem:$0x3F9C];
	s0 =	simm.s32 @p1 $0x1  }
0x15: {  	[smem:$0x3FB9] =	sst s0;
	s0 =	simm.s32 @!p2 $0x0  }
0x16: {  	s3 =	sld [smem:$0x3FDB];
	s0 =	simm.s32 @p2 $0x1  }
0x17: {  	s4 =	simm.s32 $0x1BF5;
	[smem:$0x3FBB] =	sst s0  }
0x18: {  	s0 =	sld [smem:$0x3F9E];
	_ =	swait.ge [sflag:s4], $0x0  }
0x19: {  	s7 =	sld [smem:$0x3F9F]  }
0x1a: {  	s8 =	sadd.s32 $0xFFFFE003, lr  }
0x1b: {  	s9 =	sadd.s32 $0xFFFFFEF7, lr;
	s5 =	simm.s32 $0xFFFFFFFF;
	p2 =	slt.u32 s8, $0xFFFFF086  }
0x1c: {  	p1 =	slt.u32 s9, $0xF7A;
	s5 =	simm.s32 @!p2 $0x0  }
0x1d: {  	s5 =	simm.s32 @p1 $0x1;
	p0 =	seq.s32 s7, s2  }
0x1e: {  	s7 =	smul.u32 @!p0 $0xF7A, s2;
	p2 =	seq.s32 @!p0 s5, $0x0  }
0x1f: {  	s9 =	smul.u32 $0xF7A, s1;
	s8 =	simm.s32 @!p0 $0x1BF5;
	p2 =	por !p2, p0  }
0x20: {  	[sflag:s8] =	ssyncset.s32 @!p0 $0xFFFFF086;
	s6 =	sadd.s32 @!p0 s3, s7;
	s7 =	simm.s32 @!p0 $0x108  }
0x21: {  	s3 =	sadd.s32 s3, s9;
	s6 =	sadd.s32 @!p0 $0x88, s6;
	s7 =	simm.s32 @p2 $0x1082  }
0x22: {  	[simem:s7], [sflag:s8] =	dma.local @!p0 [hbm:s6], $0xF7A  }
0x23: {  	s9 =	sor.u32 $0xD0000000, s2;
	s6 =	simm.s32 $0x108;
	_ =	swait.ge @!p0 [sflag:s8], $0x0  }
0x24: {  	s3 =	sadd.s32 $0x88, s3;
	s6 =	simm.s32 @!p1 $0x1082;
	[sflag:s4] =	ssyncset.s32 $0xFFFFF086  }
0x25: {  	[simem:s6], [sflag:s4] =	dma.local [hbm:s3], $0xF7A  }
0x26: {  	[smem:$0x3F9F] =	sst s1;
	(tag) =	ssettag s2;
	_ =	strace s9  }
0x27: {  	s1 =	sld [smem:$0x3FAF]  }
0x28: {  	s2 =	sld [smem:$0x3FB0]  }
0x29: {  	s4 =	sld [smem:$0x3FB2]  }
0x2a: {  	p0 =	seq.s32 s5, $0x0;
	s5 =	sld [smem:$0x3FB3]  }
0x2b: {  	s6 =	sld [smem:$0x3FB4]  }
0x2c: {  	s7 =	sld [smem:$0x3FB5]  }
0x2d: {  	s3 =	simm.s32 $0x108;
	s8 =	sld [smem:$0x3FB6]  }
0x2e: {  	s3 =	simm.s32 @!p0 $0x1082;
	s9 =	sld [smem:$0x3FB7]  }
0x2f: {  	lr =	sadd.s32 s0, s3;
	s0 =	sld [smem:$0x3FAE]  }
0x30: {  	s3 =	sld [smem:$0x3FB1]  }
0x31: {  	[smem:$0x3FBA] =	sst s10  }
0x32: {  	s10 =	sld [smem:$0x3FB8];
	_ =	sdelay $0x3  }
0x33: {  	p0 =	seq.s32 s10, $0x1;
	s10 =	sld [smem:$0x3FBA];
	_ =	sdelay $0x3  }
0x34: {  	[smem:$0x3FBA] =	sst s10  }
0x35: {  	s10 =	sld [smem:$0x3FB9];
	_ =	sdelay $0x3  }
0x36: {  	p1 =	seq.s32 s10, $0x1;
	s10 =	sld [smem:$0x3FBA];
	_ =	sdelay $0x3  }
0x37: {  	[smem:$0x3FBA] =	sst s10  }
0x38: {  	s10 =	sld [smem:$0x3FBB]  }
0x39: {  	_ = 	snop;
	(pc) =	sbr.ind lr, $3  }
0x3a: {  	_ = 	snop  }
0x3b: {  	_ = 	snop  }
0x3c: {  	p2 =	seq.s32 s10, $0x1;
	s10 =	sld [smem:$0x3FBA]  }
0x3d: {  	_ =	shalt  }
0x3e: {  	_ =	shalt  }
0x3f: {  	_ =	shalt  }
0x40: {  	_ =	shalt  }
0x41: {  	_ =	shalt  }
0x42: {  	_ =	shalt  }
0x43: {  	_ =	shalt  }
0x44: {  	_ =	shalt  }
0x45: {  	_ =	shalt  }
0x46: {  	_ =	shalt  }
0x47: {  	_ =	shalt  }
0x48: {  	_ =	shalt  }
0x49: {  	_ =	shalt  }
0x4a: {  	_ =	shalt  }
0x4b: {  	_ =	shalt  }
0x4c: {  	_ =	shalt  }
0x4d: {  	_ =	shalt  }
0x4e: {  	_ =	shalt  }
0x4f: {  	_ =	shalt  }
0x50: {  	_ =	shalt  }
0x51: {  	_ =	shalt  }
0x52: {  	_ =	shalt  }
0x53: {  	_ =	shalt  }
0x54: {  	_ =	shalt  }
0x55: {  	_ =	shalt  }
0x56: {  	_ =	shalt  }
0x57: {  	_ =	shalt  }
0x58: {  	_ =	shalt  }
0x59: {  	_ =	shalt  }
0x5a: {  	_ =	shalt  }
0x5b: {  	_ =	shalt  }
0x5c: {  	_ =	shalt  }
0x5d: {  	_ =	shalt  }
0x5e: {  	_ =	shalt  }
0x5f: {  	_ =	shalt  }
0x60: {  	_ =	shalt  }
0x61: {  	_ =	shalt  }
0x62: {  	_ =	shalt  }
0x63: {  	_ =	shalt  }
0x64: {  	_ =	shalt  }
0x65: {  	_ =	shalt  }
0x66: {  	_ =	shalt  }
0x67: {  	_ =	shalt  }
0x68: {  	_ =	shalt  }
0x69: {  	_ =	shalt  }
0x6a: {  	_ =	shalt  }
0x6b: {  	_ =	shalt  }
0x6c: {  	_ =	shalt  }
0x6d: {  	_ =	shalt  }
0x6e: {  	_ =	shalt  }
0x6f: {  	_ =	shalt  }
0x70: {  	_ =	shalt  }
0x71: {  	_ =	shalt  }
0x72: {  	_ =	shalt  }
0x73: {  	_ =	shalt  }
0x74: {  	_ =	shalt  }
0x75: {  	_ =	shalt  }
0x76: {  	_ =	shalt  }
0x77: {  	_ =	shalt  }
0x78: {  	_ =	shalt  }
0x79: {  	_ =	shalt  }
0x7a: {  	_ =	shalt  }
0x7b: {  	_ =	shalt  }
0x7c: {  	_ =	shalt  }
0x7d: {  	_ =	shalt  }
0x7e: {  	_ =	shalt  }
0x7f: {  	_ =	shalt  }
0x80: {  	_ =	shalt  }
0x81: {  	_ =	shalt  }
0x82: {  	_ =	shalt  }
0x83: {  	_ =	shalt  }
0x84: {  	_ =	shalt  }
0x85: {  	_ =	shalt  }
0x86: {  	_ =	shalt  }
0x87: {  	_ =	shalt  }
.Lfunc_end0:
.L_simem_size_0:
called_computation_lowered:
.L_overlay_start_0:
0x88: {  	s2 =	sld [smem:$0x3FD9]  }
0x89: {  	s3 =	sld [smem:$0x3FFE];
	_ =	sdelay $0x1  }
0x8a: {  	s1 =	srdreg.scid  }
0x8b: {  	s0 =	sand.u32 $0x1, s1  }
0x8c: {  	s17 =	sshll.u32 s0, $0xA;
	s2 =	sadd.s32 s3, s2  }
0x8d: {  	s2 =	sadd.s32 s2, s17  }
0x8e: {  	[smem:$0x3FC6] =	sst s2  }
0x8f: {  	_ = 	snop  }
0x90: {  	s2 =	sld [smem:$0x3FC9]  }
0x91: {  	s18 =	sld [smem:$0x3FD0];
	(tm) =	ssettm $0x1  }
0x92: {  	s4 =	sld [smem:$0x3FFB];
	_ =	sdelay $0x3  }
0x93: {  	_ =	strace s4  }
0x94: {  	s4 =	sld [smem:$0x3FFC];
	_ =	sdelay $0x3  }
0x95: {  	_ =	strace s4  }
0x96: {  	s4 =	sld [smem:$0x3FFD];
	_ =	sdelay $0x3  }
0x97: {  	_ =	strace s4  }
0x98: {  	_ =	strace $0x8FFFFFFF  }
0x99: {  	s19 =	sld [smem:$0x3FDB];
	_ =	sdelay $0x1  }
0x9a: {  	s5 =	simm.s32 $_scs_section_size  }
0x9b: {  	s6 =	simm.s32 $_size__tile_overlayer_lowered;
	s7 =	simm.s32 $_tile_overlayer_lowered  }
0x9c: {  	s22 =	simm.s32 $0x1BFF;
	s21 =	sshll.u32 s7, $0x1;
	s4 =	sadd.s32 s5, s19  }
0x9d: {  	s8 =	simm.s32 $0x0;
	s20 =	sshll.u32 s6, $0x1;
	s6 =	sadd.s32 s21, s4  }
0x9e: {  	[timem:s8], [sflag:s22] =	dma.local [hbm:s6], s20  }
0x9f: {  	_ =	swait.ge [sflag:s22], s20  }
0xa0: {  	s5 =	ssub.s32 $0x0, s20;
	[sflag:s22] =	ssyncset.done $0x0  }
0xa1: {  	[sflag:s22] =	ssyncadd.s32 s5;
	_ =	sdelay $0x1  }
0xa2: {  	s23 =	simm.s32 $0x1B8B  }
0xa3: {  	_ =	swait.ge [sflag:s23], $0x1  }
0xa4: {  	[sflag:s23] =	ssyncset.done $0x0  }
0xa5: {  	s25 =	simm.s32 $0x1B8E;
	s24 =	sld [smem:$0x3FFE];
	[sflag:s23] =	ssyncadd.s32 $0xFFFFFFFF  }
0xa6: {  	s26 =	simm.s32 $execute0_lowered;
	[smem:$0x3FD2] =	sst s25  }
0xa7: {  	s6 =	sshll.u32 s26, $0x1;
	_ =	strace $0x80000046;
	[dreg:$0x1] =	wrdreg $0xFFFFFFFF  }
0xa8: {  	s28 =	simm.s32 $_size_execute0_lowered;
	s4 =	sadd.s32 s4, s6;
	[dreg:$0x0] =	wrdreg $0x0  }
0xa9: {  	s6 =	sshll.u32 s28, $0x1;
	[dreg:$0x2] =	wrdreg s4  }
0xaa: {  	[dreg:$0x3] =	wrdreg s6  }
0xab: {  	[dreg:$0x4] =	wrdreg $0xC0  }
0xac: {  	_ =	task [dreg:s8], $0x5FFFF  }
0xad: {  	[dreg:$0x1] =	wrdreg $0xFFFFFFFF  }
0xae: {  	[dreg:$0x0] =	wrdreg $0x60  }
0xaf: {  	[dreg:$0x2] =	wrdreg s2  }
0xb0: {  	[dreg:$0x3] =	wrdreg s24  }
0xb1: {  	[dreg:$0x4] =	wrdreg s18  }
0xb2: {  	[dreg:$0x5] =	wrdreg $0x9  }
0xb3: {  	_ =	task.clear_ibuf [dreg:s8], $0x6FFFF;
	_ =	strace $0x90000046  }
0xb4: {  	s29 =	simm.s32 $0x9;
	_ =	strace $0x80000048  }
0xb5: {  	_ =	swait.ge [sflag:s29], $0x1  }
0xb6: {  	[sflag:s29] =	ssyncadd.s32 $0xFFFFFFFF  }
0xb7: {  	_ =	strace $0x90000048  }
0xb8: {  	_ =	sfence  }
0xb9: {  	s30 =	sld [smem:$0x0];
	_ =	sdelay $0x2  }
0xba: {  	s31 =	sshll.u32 s1, $0xD;
	s1 =	sshrl.u32 s1, $0x2  }
0xbb: {  	s3 =	sand.u32 $0x4000, s31;
	s1 =	sadd.s32 s1, s30  }
0xbc: {  	s0 =	sor.u32 s3, s0;
	s1 =	sshll.u32 s1, $0x11  }
0xbd: {  	s0 =	sor.u32 s1, s0  }
0xbe: {  	s0 =	sadd.s32 $0x8F2B, s0  }
0xbf: {  	[sflag:s0] =	ssyncadd.remote.s32 $0x1  }
0xc0: {  	_ =	sfence.sel $0xFFFF  }
0xc1: {  	[dreg:$0x0] =	wrdreg $0xFFFFFFFF;
	(pc) =	sbr.abs _section_cstart, $3  }
0xc2: {  	[dreg:$0x1] =	wrdreg $0xFFFFFFFF  }
0xc3: {  	_ =	task.clear_ibuf [dreg:s8], $0x2FFFF;
	_ =	strace $0x9FFFFFFF  }
0xc4: {  	(tm) =	ssettm $0x7FFFFFFF  }
0xc5: {  	_ =	shalt  }
tec
execute0_lowered:
.L_overlay_start_1:
0x0: {  	(tag) =	ssettag $0x1  }
0x1: {  	s3 =	rddreg [dreg:$0x0];
	s1 =	srdreg.scid  }
0x2: {  	s5 =	rddreg [dreg:$0x1];
	s0 =	stileid.u32;
	s11 =	sand.u32 $0x1, s1  }
0x3: {  	s10 =	rddreg [dreg:$0x2];
	s4 =	sshll.u32 s0, $0xA;
	s6 =	sshll.u32 s11, $0x9  }
0x4: {  	s2 =	simm.s32 $0x0;
	s1 =	rddreg [dreg:$0x3];
	s13 =	sor.u32 s6, s4  }
0x5: {  	[smem:$0x7FF] =	sst s2;
	s4 =	sshrl.u32 s13, $0x3  }
0x6: {  	_ =	strace $0x80000047;
	s3 =	sadd.s32 s3, s4;
	s4 =	simm.s32 $0x3  }
0x7: {  	[tilespmem:s2], [sflag:$0x3] =	stream.linear.gather [hbm4b:s3+s2], $0x200, $0x38;
	[tilespmem:$0x8400] =	vst v63  }
0x8: {  	_ =	swait.ge [sflag:s4], $0x200  }
0x9: {  	[sflag:s4] =	ssyncset.done $0x0  }
0xa: {  	[sflag:s4] =	ssyncadd.s32 $0xFFFFFE00  }
0xb: {  	v0 =	vld [tilespmem:$0x0]  }
0xc: {  	v1 =	vld [tilespmem:$0x10]  }
0xd: {  	v2 =	vld [tilespmem:$0x30]  }
0xe: {  	v3 =	vld [tilespmem:$0x40]  }
0xf: {  	v4 =	vld [tilespmem:$0x50]  }
0x10: {  	v5 =	vld [tilespmem:$0x70];
	_ =	sdelay $0x1  }
0x11: {  	v0 =	vmul.f32 $9.990000000e+02, v0  }
0x12: {  	v2 =	vmul.f32 $9.990000000e+02, v2;
	v1 =	vmul.f32 $9.990000000e+02, v1  }
0x13: {  	v6 =	vld [tilespmem:$0x20];
	v3 =	vmul.f32 $9.990000000e+02, v3;
	v4 =	vmul.f32 $9.990000000e+02, v4  }
0x14: {  	v7 =	vld [tilespmem:$0x60];
	v5 =	vmul.f32 $9.990000000e+02, v5;
	v0 =	vtrunc.f32 v0  }
0x15: {  	v2 =	vtrunc.f32 v2;
	v3 =	vtrunc.f32 v3  }
0x16: {  	v1 =	vtrunc.f32 v1;
	v0 =	vcvt.f32.s32 v0  }
0x17: {  	v2 =	vcvt.f32.s32 v2;
	v3 =	vcvt.f32.s32 v3  }
0x18: {  	[tilespmem:$0x200] =	vst v0;
	v0 =	vcvt.f32.s32 v1;
	v1 =	vmul.f32 $9.990000000e+02, v6  }
0x19: {  	v5 =	vtrunc.f32 v5;
	[tilespmem:$0x230] =	vst v2;
	v2 =	vmul.f32 $9.990000000e+02, v7  }
0x1a: {  	[tilespmem:$0x240] =	vst v3;
	v3 =	vcvt.f32.s32 v5;
	v1 =	vtrunc.f32 v1  }
0x1b: {  	[tilespmem:$0x210] =	vst v0;
	v0 =	vcvt.f32.s32 v1;
	v1 =	vtrunc.f32 v2  }
0x1c: {  	[tilespmem:$0x270] =	vst v3;
	v2 =	vtrunc.f32 v4;
	v1 =	vcvt.f32.s32 v1  }
0x1d: {  	v2 =	vcvt.f32.s32 v2;
	[tilespmem:$0x220] =	vst v0  }
0x1e: {  	s7 =	simm.s32 $0x80;
	[tilespmem:$0x260] =	vst v1  }
0x1f: {  	s9 =	simm.s32 $0x200;
	s5 =	sadd.s32 $0x400, s5;
	s6 =	simm.s32 $0x400;
	[tilespmem:$0x250] =	vst v2  }
0x20: {  	[tilespmem:s6], [sflag:$0x1] =	stream.indirect.gather [hbm4b:s5+s7], $0x40, s9, s7, $0xb8;
	[tilespmem:$0x8400] =	vst v63  }
0x21: {  	v0 =	vld [tilespmem:$0x80]  }
0x22: {  	v1 =	vld [tilespmem:$0x90]  }
0x23: {  	v2 =	vld [tilespmem:$0xB0]  }
0x24: {  	v3 =	vld [tilespmem:$0xA0]  }
0x25: {  	v4 =	vld [tilespmem:$0xC0];
	_ =	sdelay $0x2  }
0x26: {  	v0 =	vmul.f32 $9.990000000e+02, v0  }
0x27: {  	v1 =	vmul.f32 $9.990000000e+02, v1;
	v2 =	vmul.f32 $9.990000000e+02, v2  }
0x28: {  	v5 =	vld [tilespmem:$0xF0];
	v3 =	vmul.f32 $9.990000000e+02, v3;
	v4 =	vmul.f32 $9.990000000e+02, v4  }
0x29: {  	v60 =	vld [tilespmem:$0xD0];
	v0 =	vtrunc.f32 v0;
	v1 =	vtrunc.f32 v1  }
0x2a: {  	v61 =	vld [tilespmem:$0xE0];
	v2 =	vtrunc.f32 v2;
	v3 =	vtrunc.f32 v3  }
0x2b: {  	v4 =	vtrunc.f32 v4;
	v1 =	vcvt.f32.s32 v1  }
0x2c: {  	v2 =	vcvt.f32.s32 v2;
	v0 =	vcvt.f32.s32 v0  }
0x2d: {  	[tilespmem:$0x290] =	vst v1;
	v1 =	vcvt.f32.s32 v4;
	v4 =	vmul.f32 $9.990000000e+02, v5  }
0x2e: {  	v3 =	vcvt.f32.s32 v3;
	[tilespmem:$0x2B0] =	vst v2;
	v2 =	vmul.f32 $9.990000000e+02, v60  }
0x2f: {  	[tilespmem:$0x2C0] =	vst v1;
	v1 =	vmul.f32 $9.990000000e+02, v61;
	v4 =	vtrunc.f32 v4  }
0x30: {  	[tilespmem:$0x280] =	vst v0;
	v0 =	vtrunc.f32 v2;
	v2 =	vcvt.f32.s32 v4  }
0x31: {  	[tilespmem:$0x2A0] =	vst v3;
	v0 =	vcvt.f32.s32 v0;
	v1 =	vtrunc.f32 v1  }
0x32: {  	v1 =	vcvt.f32.s32 v1;
	[tilespmem:$0x2F0] =	vst v2  }
0x33: {  	[tilespmem:$0x2D0] =	vst v0  }
0x34: {  	s12 =	simm.s32 $0x280;
	s8 =	simm.s32 $0x2400;
	[tilespmem:$0x2E0] =	vst v1  }
0x35: {  	[tilespmem:s8], [sflag:$0x1] =	stream.indirect.gather [hbm4b:s5+s7], $0x40, s12, s7, $0xb8;
	[tilespmem:$0x8400] =	vst v63  }
0x36: {  	v0 =	vld [tilespmem:$0x100]  }
0x37: {  	v1 =	vld [tilespmem:$0x140]  }
0x38: {  	v2 =	vld [tilespmem:$0x170]  }
0x39: {  	v3 =	vld [tilespmem:$0x120]  }
0x3a: {  	v4 =	vld [tilespmem:$0x150]  }
0x3b: {  	v5 =	vld [tilespmem:$0x110]  }
0x3c: {  	v62 =	vld [tilespmem:$0x130];
	_ =	sdelay $0x1  }
0x3d: {  	v0 =	vmul.f32 $9.990000000e+02, v0  }
0x3e: {  	v2 =	vmul.f32 $9.990000000e+02, v2;
	v3 =	vmul.f32 $9.990000000e+02, v3  }
0x3f: {  	v1 =	vmul.f32 $9.990000000e+02, v1;
	v4 =	vmul.f32 $9.990000000e+02, v4  }
0x40: {  	v63 =	vld [tilespmem:$0x160];
	v5 =	vmul.f32 $9.990000000e+02, v5;
	v6 =	vmul.f32 $9.990000000e+02, v62  }
0x41: {  	v0 =	vtrunc.f32 v0;
	v1 =	vtrunc.f32 v1  }
0x42: {  	v4 =	vtrunc.f32 v4;
	v1 =	vcvt.f32.s32 v1  }
0x43: {  	v3 =	vtrunc.f32 v3;
	v4 =	vcvt.f32.s32 v4  }
0x44: {  	v5 =	vtrunc.f32 v5;
	v3 =	vcvt.f32.s32 v3;
	[tilespmem:$0x340] =	vst v1  }
0x45: {  	v0 =	vcvt.f32.s32 v0;
	[tilespmem:$0x350] =	vst v4;
	v1 =	vmul.f32 $9.990000000e+02, v63  }
0x46: {  	v4 =	vcvt.f32.s32 v5;
	[tilespmem:$0x320] =	vst v3;
	v3 =	vtrunc.f32 v6  }
0x47: {  	s15 =	ssub.s32 $0x2, s11;
	[tilespmem:$0x300] =	vst v0;
	v0 =	vcvt.f32.s32 v3;
	v1 =	vtrunc.f32 v1  }
0x48: {  	s16 =	sshrl.u32 s15, $0x1;
	v2 =	vtrunc.f32 v2;
	[tilespmem:$0x310] =	vst v4;
	v1 =	vcvt.f32.s32 v1  }
0x49: {  	s31 =	ssub.s32 s15, s16;
	[tilespmem:$0x330] =	vst v0;
	v0 =	vcvt.f32.s32 v2  }
0x4a: {  	s21 =	smax.u32 s31, $0x1;
	[tilespmem:$0x360] =	vst v1  }
0x4b: {  	s20 =	simm.s32 $0x300;
	s11 =	simm.s32 $0x4400;
	p0 =	sne.s32 s21, $0x1;
	[tilespmem:$0x370] =	vst v0  }
0x4c: {  	[tilespmem:s11], [sflag:$0x1] =	stream.indirect.gather [hbm4b:s5+s7], $0x40, s20, s7, $0xb8;
	[tilespmem:$0x8400] =	vst v63  }
.Ltmp0:
0x4d: {  	_ = 	snop;
	(pc) =	sbr.rel @!p0 .LBB2_2-.Ltmp0, $4  }
0x4e: {  	s30 =	sshll.u32 s13, $0x3;
	v0 =	vld [tilespmem:$0x180]  }
0x4f: {  	s19 =	simm.s32 $0x380;
	s18 =	simm.s32 $0x1;
	s14 =	sadd.s32 s10, s30;
	v3 =	vld [tilespmem:$0x190]  }
0x50: {  	s16 =	simm.s32 $0x6400;
	s10 =	simm.s32 $0x2;
	s17 =	sadd.s32 $0x400, s14;
	v2 =	vld [tilespmem:$0x1C0]  }
0x51: {  	s15 =	sadd.s32 $0x800, s14;
	s13 =	sadd.s32 $0xC00, s14;
	s21 =	sadd.s32 $0xFFFFFFFF, s21;
	v1 =	vld [tilespmem:$0x1B0]  }
.LBB2_1:
0x52: {  	p0 =	sne.s32 s21, $0x1;
	s21 =	sadd.s32 $0xFFFFFFFF, s21;
	v4 =	vld [tilespmem:$0x1A0]  }
0x53: {  	v0 =	vmul.f32 $9.990000000e+02, v0;
	v5 =	vld [tilespmem:$0x1D0]  }
0x54: {  	v3 =	vmul.f32 $9.990000000e+02, v3;
	v6 =	vld [tilespmem:$0x1E0]  }
0x55: {  	v0 =	vtrunc.f32 v0;
	v2 =	vmul.f32 $9.990000000e+02, v2;
	v7 =	vld [tilespmem:$0x1F0]  }
0x56: {  	v3 =	vtrunc.f32 v3;
	v1 =	vmul.f32 $9.990000000e+02, v1  }
0x57: {  	v3 =	vcvt.f32.s32 v3;
	v2 =	vtrunc.f32 v2  }
0x58: {  	v1 =	vtrunc.f32 v1;
	v2 =	vcvt.f32.s32 v2  }
0x59: {  	[tilespmem:$0x390] =	vst v3;
	v3 =	vmul.f32 $9.990000000e+02, v4;
	v1 =	vcvt.f32.s32 v1  }
0x5a: {  	[tilespmem:$0x3C0] =	vst v2;
	v2 =	vmul.f32 $9.990000000e+02, v5;
	v4 =	vmul.f32 $9.990000000e+02, v7  }
0x5b: {  	v3 =	vtrunc.f32 v3;
	[tilespmem:$0x3B0] =	vst v1;
	v1 =	vmul.f32 $9.990000000e+02, v6  }
0x5c: {  	v3 =	vcvt.f32.s32 v3;
	v2 =	vtrunc.f32 v2  }
0x5d: {  	v2 =	vcvt.f32.s32 v2;
	v1 =	vtrunc.f32 v1  }
0x5e: {  	v0 =	vcvt.f32.s32 v0;
	[tilespmem:$0x3A0] =	vst v3;
	v3 =	vtrunc.f32 v4  }
0x5f: {  	[tilespmem:$0x3D0] =	vst v2;
	v2 =	vcvt.f32.s32 v3  }
0x60: {  	[tilespmem:$0x380] =	vst v0;
	v0 =	vcvt.f32.s32 v1  }
0x61: {  	[tilespmem:$0x3F0] =	vst v2  }
0x62: {  	[tilespmem:$0x3E0] =	vst v0  }
0x63: {  	[tilespmem:s16], [sflag:$0x1] =	stream.indirect.gather [hbm4b:s5+s7], $0x40, s19, s7, $0xb8;
	[tilespmem:$0x8400] =	vst v63  }
0x64: {  	_ =	swait.ge [sflag:s18], $0x2000  }
0x65: {  	[sflag:s18] =	ssyncset.done $0x0  }
0x66: {  	[sflag:s18] =	ssyncadd.s32 $0xFFFFE000  }
0x67: {  	[hbm4b:s14+s2] =	stream.linear.scatter [tilespmem:s6], [sflag:$0x2], $0x2000, $0x38;
	[tilespmem:$0x8400] =	vst v63  }
0x68: {  	_ =	swait.ge [sflag:s18], $0x2000  }
0x69: {  	[sflag:s18] =	ssyncset.done $0x0  }
0x6a: {  	[sflag:s18] =	ssyncadd.s32 $0xFFFFE000  }
0x6b: {  	[hbm4b:s17+s2] =	stream.linear.scatter [tilespmem:s8], [sflag:$0x2], $0x2000, $0x38;
	[tilespmem:$0x8400] =	vst v63  }
0x6c: {  	_ =	swait.ge [sflag:s18], $0x2000  }
0x6d: {  	[sflag:s18] =	ssyncset.done $0x0  }
0x6e: {  	[sflag:s18] =	ssyncadd.s32 $0xFFFFE000  }
0x6f: {  	[hbm4b:s15+s2] =	stream.linear.scatter [tilespmem:s11], [sflag:$0x2], $0x2000, $0x38;
	[tilespmem:$0x8400] =	vst v63  }
0x70: {  	_ =	swait.ge [sflag:s18], $0x2000  }
0x71: {  	[sflag:s18] =	ssyncset.done $0x0  }
0x72: {  	[sflag:s18] =	ssyncadd.s32 $0xFFFFE000  }
0x73: {  	[hbm4b:s13+s2] =	stream.linear.scatter [tilespmem:s16], [sflag:$0x2], $0x2000, $0x38;
	[tilespmem:$0x8400] =	vst v63  }
0x74: {  	_ =	swait.ge [sflag:s10], $0x2000  }
0x75: {  	[sflag:s10] =	ssyncset.done $0x0  }
0x76: {  	[sflag:s10] =	ssyncadd.s32 $0xFFFFE000  }
0x77: {  	_ =	swait.ge [sflag:s10], $0x2000  }
0x78: {  	[sflag:s10] =	ssyncset.done $0x0  }
0x79: {  	[sflag:s10] =	ssyncadd.s32 $0xFFFFE000  }
0x7a: {  	_ =	swait.ge [sflag:s10], $0x2000  }
0x7b: {  	[sflag:s10] =	ssyncset.done $0x0  }
0x7c: {  	[sflag:s10] =	ssyncadd.s32 $0xFFFFE000  }
0x7d: {  	_ =	swait.ge [sflag:s10], $0x2000  }
0x7e: {  	[sflag:s10] =	ssyncset.done $0x0  }
0x7f: {  	[sflag:s10] =	ssyncadd.s32 $0xFFFFE000;
	_ =	sdelay $0x1  }
0x80: {  	[tilespmem:s2], [sflag:$0x3] =	stream.linear.gather [hbm4b:s3+s2], $0x200, $0x38;
	[tilespmem:$0x8400] =	vst v63  }
0x81: {  	_ =	swait.ge [sflag:s4], $0x200  }
0x82: {  	[sflag:s4] =	ssyncset.done $0x0  }
0x83: {  	[sflag:s4] =	ssyncadd.s32 $0xFFFFFE00  }
0x84: {  	v0 =	vld [tilespmem:$0x0]  }
0x85: {  	v1 =	vld [tilespmem:$0x10]  }
0x86: {  	v2 =	vld [tilespmem:$0x30]  }
0x87: {  	v3 =	vld [tilespmem:$0x40]  }
0x88: {  	v4 =	vld [tilespmem:$0x50]  }
0x89: {  	v0 =	vmul.f32 $9.990000000e+02, v0  }
0x8a: {  	v5 =	vld [tilespmem:$0x70]  }
0x8b: {  	v2 =	vmul.f32 $9.990000000e+02, v2  }
0x8c: {  	v1 =	vmul.f32 $9.990000000e+02, v1;
	v3 =	vmul.f32 $9.990000000e+02, v3  }
0x8d: {  	v0 =	vtrunc.f32 v0;
	v6 =	vld [tilespmem:$0x20];
	v2 =	vtrunc.f32 v2  }
0x8e: {  	v0 =	vcvt.f32.s32 v0;
	v4 =	vmul.f32 $9.990000000e+02, v4;
	v7 =	vld [tilespmem:$0x60]  }
0x8f: {  	v3 =	vtrunc.f32 v3;
	v5 =	vmul.f32 $9.990000000e+02, v5  }
0x90: {  	[tilespmem:$0x200] =	vst v0;
	v0 =	vtrunc.f32 v1;
	v1 =	vcvt.f32.s32 v2  }
0x91: {  	v2 =	vcvt.f32.s32 v3;
	v3 =	vtrunc.f32 v4  }
0x92: {  	v0 =	vcvt.f32.s32 v0;
	v4 =	vmul.f32 $9.990000000e+02, v6;
	[tilespmem:$0x230] =	vst v1  }
0x93: {  	[tilespmem:$0x240] =	vst v2;
	v1 =	vmul.f32 $9.990000000e+02, v7;
	v2 =	vtrunc.f32 v5  }
0x94: {  	v4 =	vtrunc.f32 v4;
	v2 =	vcvt.f32.s32 v2  }
0x95: {  	[tilespmem:$0x210] =	vst v0;
	v0 =	vcvt.f32.s32 v4;
	v1 =	vtrunc.f32 v1  }
0x96: {  	v3 =	vcvt.f32.s32 v3;
	v1 =	vcvt.f32.s32 v1;
	[tilespmem:$0x270] =	vst v2  }
0x97: {  	[tilespmem:$0x220] =	vst v0  }
0x98: {  	[tilespmem:$0x260] =	vst v1  }
0x99: {  	[tilespmem:$0x250] =	vst v3  }
0x9a: {  	[tilespmem:s6], [sflag:$0x1] =	stream.indirect.gather [hbm4b:s5+s7], $0x40, s9, s7, $0xb8;
	[tilespmem:$0x8400] =	vst v63  }
0x9b: {  	v0 =	vld [tilespmem:$0x80]  }
0x9c: {  	v1 =	vld [tilespmem:$0x90]  }
0x9d: {  	v2 =	vld [tilespmem:$0xA0]  }
0x9e: {  	v3 =	vld [tilespmem:$0xB0]  }
0x9f: {  	v4 =	vld [tilespmem:$0xC0]  }
0xa0: {  	v0 =	vmul.f32 $9.990000000e+02, v0;
	v5 =	vld [tilespmem:$0xF0]  }
0xa1: {  	v1 =	vmul.f32 $9.990000000e+02, v1;
	v6 =	vld [tilespmem:$0xD0]  }
0xa2: {  	v0 =	vtrunc.f32 v0;
	v2 =	vmul.f32 $9.990000000e+02, v2;
	v7 =	vld [tilespmem:$0xE0]  }
0xa3: {  	v1 =	vtrunc.f32 v1;
	v3 =	vmul.f32 $9.990000000e+02, v3  }
0xa4: {  	v1 =	vcvt.f32.s32 v1;
	v4 =	vmul.f32 $9.990000000e+02, v4  }
0xa5: {  	v2 =	vtrunc.f32 v2;
	v3 =	vtrunc.f32 v3  }
0xa6: {  	[tilespmem:$0x290] =	vst v1;
	v1 =	vcvt.f32.s32 v3;
	v3 =	vtrunc.f32 v4  }
0xa7: {  	v0 =	vcvt.f32.s32 v0;
	v3 =	vcvt.f32.s32 v3  }
0xa8: {  	v4 =	vmul.f32 $9.990000000e+02, v5;
	[tilespmem:$0x2B0] =	vst v1;
	v1 =	vmul.f32 $9.990000000e+02, v6  }
0xa9: {  	v2 =	vcvt.f32.s32 v2;
	[tilespmem:$0x2C0] =	vst v3;
	v3 =	vmul.f32 $9.990000000e+02, v7  }
0xaa: {  	[tilespmem:$0x280] =	vst v0;
	v0 =	vtrunc.f32 v1;
	v1 =	vtrunc.f32 v4  }
0xab: {  	v3 =	vtrunc.f32 v3;
	v1 =	vcvt.f32.s32 v1  }
0xac: {  	v0 =	vcvt.f32.s32 v0;
	[tilespmem:$0x2A0] =	vst v2;
	v2 =	vcvt.f32.s32 v3  }
0xad: {  	[tilespmem:$0x2F0] =	vst v1  }
0xae: {  	[tilespmem:$0x2D0] =	vst v0  }
0xaf: {  	[tilespmem:$0x2E0] =	vst v2  }
0xb0: {  	[tilespmem:s8], [sflag:$0x1] =	stream.indirect.gather [hbm4b:s5+s7], $0x40, s12, s7, $0xb8;
	[tilespmem:$0x8400] =	vst v63  }
0xb1: {  	v0 =	vld [tilespmem:$0x100]  }
0xb2: {  	v1 =	vld [tilespmem:$0x140]  }
0xb3: {  	v2 =	vld [tilespmem:$0x170]  }
0xb4: {  	v3 =	vld [tilespmem:$0x120]  }
0xb5: {  	v4 =	vld [tilespmem:$0x150]  }
0xb6: {  	v0 =	vmul.f32 $9.990000000e+02, v0;
	v5 =	vld [tilespmem:$0x110]  }
0xb7: {  	v6 =	vld [tilespmem:$0x130]  }
0xb8: {  	v0 =	vtrunc.f32 v0;
	v7 =	vld [tilespmem:$0x160];
	v2 =	vmul.f32 $9.990000000e+02, v2  }
0xb9: {  	v3 =	vmul.f32 $9.990000000e+02, v3  }
0xba: {  	v1 =	vmul.f32 $9.990000000e+02, v1;
	v4 =	vmul.f32 $9.990000000e+02, v4  }
0xbb: {  	v5 =	vmul.f32 $9.990000000e+02, v5;
	v3 =	vtrunc.f32 v3  }
0xbc: {  	v1 =	vtrunc.f32 v1;
	v4 =	vtrunc.f32 v4  }
0xbd: {  	v1 =	vcvt.f32.s32 v1;
	v4 =	vcvt.f32.s32 v4  }
0xbe: {  	v3 =	vcvt.f32.s32 v3;
	v5 =	vtrunc.f32 v5  }
0xbf: {  	v6 =	vmul.f32 $9.990000000e+02, v6;
	v5 =	vcvt.f32.s32 v5;
	[tilespmem:$0x340] =	vst v1  }
0xc0: {  	v0 =	vcvt.f32.s32 v0;
	v1 =	vmul.f32 $9.990000000e+02, v7;
	[tilespmem:$0x350] =	vst v4  }
0xc1: {  	v2 =	vtrunc.f32 v2;
	[tilespmem:$0x320] =	vst v3;
	v3 =	vtrunc.f32 v6  }
0xc2: {  	v1 =	vtrunc.f32 v1;
	[tilespmem:$0x300] =	vst v0;
	v0 =	vcvt.f32.s32 v3  }
0xc3: {  	v1 =	vcvt.f32.s32 v1;
	[tilespmem:$0x310] =	vst v5  }
0xc4: {  	[tilespmem:$0x330] =	vst v0;
	v0 =	vcvt.f32.s32 v2  }
0xc5: {  	[tilespmem:$0x360] =	vst v1  }
0xc6: {  	[tilespmem:$0x370] =	vst v0  }
0xc7: {  	[tilespmem:s11], [sflag:$0x1] =	stream.indirect.gather [hbm4b:s5+s7], $0x40, s20, s7, $0xb8;
	[tilespmem:$0x8400] =	vst v63  }
.Ltmp1:
0xc8: {  	_ = 	snop;
	(pc) =	sbr.rel @p0 .LBB2_1-.Ltmp1, $4  }
0xc9: {  	v0 =	vld [tilespmem:$0x180]  }
0xca: {  	v3 =	vld [tilespmem:$0x190]  }
0xcb: {  	v2 =	vld [tilespmem:$0x1C0]  }
0xcc: {  	v1 =	vld [tilespmem:$0x1B0]  }
.LBB2_2:
0xcd: {  	v4 =	vld [tilespmem:$0x1A0]  }
0xce: {  	v5 =	vld [tilespmem:$0x1D0]  }
0xcf: {  	v6 =	vld [tilespmem:$0x1F0];
	v0 =	vmul.f32 $9.990000000e+02, v0;
	v3 =	vmul.f32 $9.990000000e+02, v3  }
0xd0: {  	v7 =	vld [tilespmem:$0x1E0];
	v2 =	vmul.f32 $9.990000000e+02, v2  }
0xd1: {  	v0 =	vtrunc.f32 v0;
	v3 =	vtrunc.f32 v3  }
0xd2: {  	v1 =	vmul.f32 $9.990000000e+02, v1;
	v0 =	vcvt.f32.s32 v0  }
0xd3: {  	v3 =	vcvt.f32.s32 v3;
	v2 =	vtrunc.f32 v2  }
0xd4: {  	v4 =	vmul.f32 $9.990000000e+02, v4;
	v5 =	vmul.f32 $9.990000000e+02, v5  }
0xd5: {  	v58 =	vmul.f32 $9.990000000e+02, v6;
	v61 =	vmul.f32 $9.990000000e+02, v7  }
0xd6: {  	v1 =	vtrunc.f32 v1;
	v2 =	vcvt.f32.s32 v2;
	[tilespmem:$0x380] =	vst v0  }
0xd7: {  	v1 =	vcvt.f32.s32 v1;
	[tilespmem:$0x390] =	vst v3;
	v4 =	vtrunc.f32 v4  }
0xd8: {  	v60 =	vtrunc.f32 v5;
	[tilespmem:$0x3C0] =	vst v2;
	v59 =	vcvt.f32.s32 v4  }
0xd9: {  	v62 =	vtrunc.f32 v58;
	v4 =	vcvt.f32.s32 v60;
	[tilespmem:$0x3B0] =	vst v1  }
0xda: {  	v2 =	vcvt.f32.s32 v62;
	v1 =	vtrunc.f32 v61;
	[tilespmem:$0x3A0] =	vst v59  }
0xdb: {  	[tilespmem:$0x3D0] =	vst v4;
	v63 =	vcvt.f32.s32 v1  }
0xdc: {  	[tilespmem:$0x3F0] =	vst v2  }
0xdd: {  	[tilespmem:$0x3E0] =	vst v63  }
0xde: {  	[tilespmem:s16], [sflag:$0x1] =	stream.indirect.gather [hbm4b:s5+s7], $0x40, s19, s7, $0xb8;
	[tilespmem:$0x8400] =	vst v63  }
0xdf: {  	_ =	swait.ge [sflag:s18], $0x2000  }
0xe0: {  	[sflag:s18] =	ssyncset.done $0x0  }
0xe1: {  	[sflag:s18] =	ssyncadd.s32 $0xFFFFE000  }
0xe2: {  	[hbm4b:s14+s2] =	stream.linear.scatter [tilespmem:s6], [sflag:$0x2], $0x2000, $0x38;
	[tilespmem:$0x8400] =	vst v63  }
0xe3: {  	_ =	swait.ge [sflag:s18], $0x2000  }
0xe4: {  	[sflag:s18] =	ssyncset.done $0x0  }
0xe5: {  	[sflag:s18] =	ssyncadd.s32 $0xFFFFE000  }
0xe6: {  	[hbm4b:s17+s2] =	stream.linear.scatter [tilespmem:s8], [sflag:$0x2], $0x2000, $0x38;
	[tilespmem:$0x8400] =	vst v63  }
0xe7: {  	_ =	swait.ge [sflag:s18], $0x2000  }
0xe8: {  	[sflag:s18] =	ssyncset.done $0x0  }
0xe9: {  	[sflag:s18] =	ssyncadd.s32 $0xFFFFE000  }
0xea: {  	[hbm4b:s15+s2] =	stream.linear.scatter [tilespmem:s11], [sflag:$0x2], $0x2000, $0x38;
	[tilespmem:$0x8400] =	vst v63  }
0xeb: {  	_ =	swait.ge [sflag:s18], $0x2000  }
0xec: {  	[sflag:s18] =	ssyncset.done $0x0  }
0xed: {  	[sflag:s18] =	ssyncadd.s32 $0xFFFFE000  }
0xee: {  	[hbm4b:s13+s2] =	stream.linear.scatter [tilespmem:s16], [sflag:$0x2], $0x2000, $0x38;
	[tilespmem:$0x8400] =	vst v63  }
0xef: {  	_ =	swait.ge [sflag:s10], $0x2000  }
0xf0: {  	[sflag:s10] =	ssyncset.done $0x0  }
0xf1: {  	[sflag:s10] =	ssyncadd.s32 $0xFFFFE000  }
0xf2: {  	_ =	swait.ge [sflag:s10], $0x2000  }
0xf3: {  	[sflag:s10] =	ssyncset.done $0x0  }
0xf4: {  	[sflag:s10] =	ssyncadd.s32 $0xFFFFE000  }
0xf5: {  	_ =	swait.ge [sflag:s10], $0x2000  }
0xf6: {  	[sflag:s10] =	ssyncset.done $0x0  }
0xf7: {  	[sflag:s10] =	ssyncadd.s32 $0xFFFFE000  }
0xf8: {  	_ =	swait.ge [sflag:s10], $0x2000  }
0xf9: {  	[sflag:s10] =	ssyncset.done $0x0  }
0xfa: {  	[sflag:s10] =	ssyncadd.s32 $0xFFFFE000  }
0xfb: {  	_ =	sfence.sel $0x180000  }
0xfc: {  	[bflag:$0x0] =	sbarrier.arrive $0xFFFF  }
0xfd: {  	p0 =	sne.s32 s0, $0x0;
	_ =	strace $0x90000047  }
0xfe: {  	s0 =	sadd.s32 @!p0 $0x100000, s1;
	[bflag:$0x2] =	sbarrier.arrive $0xFFFF  }
0xff: {  	[sflag:s0] =	ssyncadd.tile.s32 @!p0 $0x1;
	_ =	shalt  }
.Lfunc_end2:
_tile_overlayer_lowered:
.L_overlay_start_2:
0x100: {  	(tag) =	ssettag $0x2  }
0x101: {  	s0 =	rddreg [dreg:$0x0];
	s2 =	stileid.u32  }
0x102: {  	s1 =	rddreg [dreg:$0x1];
	p0 =	sne.s32 s2, $0x0  }
0x103: {  	s3 =	rddreg [dreg:$0x2];
	[bflag:$0x3] =	sbarrier.arrive $0xFFFF;
	s2 =	simm.s32 @!p0 $0x1C03  }
0x104: {  	[timem:s3], [sflag:s2] =	dma.local @!p0 [hbm:s0], s1  }
0x105: {  	s0 =	simm.s32 @!p0 $0x3  }
0x106: {  	_ =	swait.ge @!p0 [sflag:s0], s1  }
0x107: {  	s1 =	ssub.s32 @!p0 $0x0, s1;
	[sflag:s0] =	ssyncset.done @!p0 $0x0  }
0x108: {  	[sflag:s0] =	ssyncadd.s32 @!p0 s1  }
0x109: {  	[bflag:$0x3] =	sbarrier.arrive $0xFFFF  }
0x10a: {  	_ =	shalt  }

</sc_bundles>
